<compile_context>
chip_gen: v7x
topology: tpu7x:2x2x1
jax: 0.10.2.dev20260603
libtpu: 0.0.44.dev20260713+nightly
codegen_flags: <defaults>
</compile_context>

<pallas_src>
import functools

import jax
import jax.numpy as jnp
from jax import lax
from jax.experimental import pallas as pl
from jax.experimental.pallas import tpu as pltpu
from jax.experimental.pallas import tpu_sc as plsc

N_NODES = 10000
N_PAD = 10240
N_EDGES = 320000
D = 128
N_GRAPHS = 64

NC = 2
NS = 16
NW = NC * NS
E_PER_TILE = N_EDGES // NW
CHUNK = 80
STEPS = E_PER_TILE // CHUNK
ROWS_PER_TILE = N_PAD // NS

R_BLK = 2048
GRID = N_PAD // R_BLK


def _sc_mesh():
    return plsc.VectorSubcoreMesh(core_axis_name="c", subcore_axis_name="s",
                                  num_cores=NC, num_subcores=NS)


@functools.cache
def _make_deg_sc():
    return functools.partial(
        pl.kernel,
        out_type=jax.ShapeDtypeStruct((NC, N_PAD, 16), jnp.float32),
        mesh=_sc_mesh(),
        scratch_types=[
            pltpu.VMEM((1, CHUNK), jnp.int32),
            pltpu.VMEM((CHUNK, 16), jnp.float32),
            pltpu.VMEM_SHARED((N_PAD, 16), jnp.float32),
            pltpu.SemaphoreType.DMA,
        ],
    )(_deg_sc_body)


def _deg_sc_body(col_hbm, zeros_hbm, out_hbm, colv, ones_v, acc, sem):
    c = lax.axis_index("c")
    s = lax.axis_index("s")
    wid = c * NS + s
    r0 = s * ROWS_PER_TILE

    def fill_ones(i, carry):
        ones_v[i, :] = jnp.ones((16,), jnp.float32)
        return carry

    lax.fori_loop(0, CHUNK, fill_ones, 0)
    pltpu.sync_copy(zeros_hbm, acc.at[pl.ds(r0, ROWS_PER_TILE)])
    plsc.subcore_barrier()

    def body(j, carry):
        base = wid * E_PER_TILE + j * CHUNK
        pltpu.sync_copy(col_hbm.at[pl.ds(base, CHUNK)], colv.at[0])
        pltpu.sync_copy(ones_v, acc.at[colv.at[0]], add=True)
        return carry

    lax.fori_loop(0, STEPS, body, 0)
    plsc.subcore_barrier()
    pltpu.sync_copy(acc.at[pl.ds(r0, ROWS_PER_TILE)],
                    out_hbm.at[c, pl.ds(r0, ROWS_PER_TILE)])


@functools.cache
def _make_prop_sc():
    return functools.partial(
        pl.kernel,
        out_type=jax.ShapeDtypeStruct((NC, N_PAD, D), jnp.float32),
        mesh=_sc_mesh(),
        scratch_types=[
            pltpu.VMEM((CHUNK,), jnp.int32),
            pltpu.VMEM((1, CHUNK), jnp.int32),
            pltpu.VMEM((CHUNK, D), jnp.float32),
            pltpu.VMEM_SHARED((N_PAD, D), jnp.float32),
            pltpu.SemaphoreType.DMA,
        ],
    )(_prop_sc_body)


def _prop_sc_body(p_hbm, row_hbm, col_hbm, zeros_hbm, out_hbm,
                  rowv, colv, gbuf, acc, gsem):
    c = lax.axis_index("c")
    s = lax.axis_index("s")
    wid = c * NS + s
    r0 = s * ROWS_PER_TILE

    pltpu.sync_copy(zeros_hbm, acc.at[pl.ds(r0, ROWS_PER_TILE)])
    plsc.subcore_barrier()

    def body(j, carry):
        base = wid * E_PER_TILE + j * CHUNK
        pltpu.sync_copy(row_hbm.at[pl.ds(base, CHUNK)], rowv)
        pltpu.sync_copy(col_hbm.at[pl.ds(base, CHUNK)], colv.at[0])
        pltpu.async_copy(p_hbm.at[rowv], gbuf, gsem).wait()
        pltpu.sync_copy(gbuf, acc.at[colv.at[0]], add=True)
        return carry

    lax.fori_loop(0, STEPS, body, 0)
    plsc.subcore_barrier()
    pltpu.sync_copy(acc.at[pl.ds(r0, ROWS_PER_TILE)],
                    out_hbm.at[c, pl.ds(r0, ROWS_PER_TILE)])



def _mm1_body(x_ref, w_ref, d0_ref, d1_ref, p_ref, dis_ref):
    deg = d0_ref[:, 0:1] + d1_ref[:, 0:1] + 1.0
    dis = lax.rsqrt(deg)
    h = jnp.dot(x_ref[...], w_ref[...], preferred_element_type=jnp.float32)
    p_ref[...] = h * dis
    dis_ref[...] = dis


def _mm1(x, W1, deg0, deg1):
    return pl.pallas_call(
        _mm1_body,
        grid=(GRID,),
        in_specs=[
            pl.BlockSpec((R_BLK, D), lambda i: (i, 0)),
            pl.BlockSpec((D, D), lambda i: (0, 0)),
            pl.BlockSpec((R_BLK, 16), lambda i: (i, 0)),
            pl.BlockSpec((R_BLK, 16), lambda i: (i, 0)),
        ],
        out_specs=[
            pl.BlockSpec((R_BLK, D), lambda i: (i, 0)),
            pl.BlockSpec((R_BLK, 1), lambda i: (i, 0)),
        ],
        out_shape=[
            jax.ShapeDtypeStruct((N_PAD, D), jnp.float32),
            jax.ShapeDtypeStruct((N_PAD, 1), jnp.float32),
        ],
    )(x, W1, deg0, deg1)


def _combine_body(s0_ref, s1_ref, p_ref, dis_ref, b_ref, w_ref, pn_ref):
    dis = dis_ref[...]
    a = dis * (s0_ref[...] + s1_ref[...] + p_ref[...]) + b_ref[...]
    a = jnp.maximum(a, 0.0)
    pn_ref[...] = dis * jnp.dot(a, w_ref[...],
                                preferred_element_type=jnp.float32)


def _combine_mm(s_parts, p, dis, b, Wn):
    return pl.pallas_call(
        _combine_body,
        grid=(GRID,),
        in_specs=[
            pl.BlockSpec((R_BLK, D), lambda i: (i, 0)),
            pl.BlockSpec((R_BLK, D), lambda i: (i, 0)),
            pl.BlockSpec((R_BLK, D), lambda i: (i, 0)),
            pl.BlockSpec((R_BLK, 1), lambda i: (i, 0)),
            pl.BlockSpec((1, D), lambda i: (0, 0)),
            pl.BlockSpec((D, D), lambda i: (0, 0)),
        ],
        out_specs=pl.BlockSpec((R_BLK, D), lambda i: (i, 0)),
        out_shape=jax.ShapeDtypeStruct((N_PAD, D), jnp.float32),
    )(s_parts[0], s_parts[1], p, dis, b.reshape(1, D), Wn)


def _final_body(s0_ref, s1_ref, p_ref, dis_ref, b4_ref, batch_ref,
                wd1_ref, bd1_ref, wd2_ref, bd2_ref, wo_ref, bo_ref,
                out_ref, sums, counts):
    i = pl.program_id(0)

    @pl.when(i == 0)
    def _():
        sums[...] = jnp.zeros_like(sums)
        counts[...] = jnp.zeros_like(counts)

    h = dis_ref[...] * (s0_ref[...] + s1_ref[...] + p_ref[...]) + b4_ref[...]
    bb = batch_ref[0, 0, :]
    onehot = (bb[None, :] ==
              lax.broadcasted_iota(jnp.int32, (N_GRAPHS, R_BLK), 0)
              ).astype(jnp.float32)
    sums[...] += jnp.dot(onehot, h, preferred_element_type=jnp.float32)
    counts[...] += jnp.sum(onehot, axis=1, keepdims=True)

    @pl.when(i == pl.num_programs(0) - 1)
    def _():
        g = sums[...] / jnp.maximum(counts[...], 1.0)
        g = jnp.maximum(
            jnp.dot(g, wd1_ref[...], preferred_element_type=jnp.float32)
            + bd1_ref[...], 0.0)
        g = jnp.maximum(
            jnp.dot(g, wd2_ref[...], preferred_element_type=jnp.float32)
            + bd2_ref[...], 0.0)
        out_ref[...] = (jnp.dot(g, wo_ref[...],
                                preferred_element_type=jnp.float32)
                        + bo_ref[...])


def _final(s_parts, p, dis, b4, batch_r, Wd1, bd1, Wd2, bd2, Wo, bo):
    return pl.pallas_call(
        _final_body,
        grid=(GRID,),
        in_specs=[
            pl.BlockSpec((R_BLK, D), lambda i: (i, 0)),
            pl.BlockSpec((R_BLK, D), lambda i: (i, 0)),
            pl.BlockSpec((R_BLK, D), lambda i: (i, 0)),
            pl.BlockSpec((R_BLK, 1), lambda i: (i, 0)),
            pl.BlockSpec((1, D), lambda i: (0, 0)),
            pl.BlockSpec((1, 1, R_BLK), lambda i: (i, 0, 0)),
            pl.BlockSpec((D, D), lambda i: (0, 0)),
            pl.BlockSpec((1, D), lambda i: (0, 0)),
            pl.BlockSpec((D, D), lambda i: (0, 0)),
            pl.BlockSpec((1, D), lambda i: (0, 0)),
            pl.BlockSpec((D, 1), lambda i: (0, 0)),
            pl.BlockSpec((1, 1), lambda i: (0, 0)),
        ],
        out_specs=pl.BlockSpec((N_GRAPHS, 1), lambda i: (0, 0)),
        out_shape=jax.ShapeDtypeStruct((N_GRAPHS, 1), jnp.float32),
        scratch_shapes=[
            pltpu.VMEM((N_GRAPHS, D), jnp.float32),
            pltpu.VMEM((N_GRAPHS, 1), jnp.float32),
        ],
    )(s_parts[0], s_parts[1], p, dis, b4.reshape(1, D), batch_r,
      Wd1, bd1.reshape(1, D), Wd2, bd2.reshape(1, D), Wo, bo.reshape(1, 1))



def kernel(x, edge_index, batch, W1, b1, W2, b2, W4, b4,
           Wd1, bd1, Wd2, bd2, Wo, bo):
    ei = edge_index.astype(jnp.int32)
    row = ei[0]
    col = ei[1]
    x = jnp.pad(x, ((0, N_PAD - N_NODES), (0, 0)))
    batch_r = jnp.pad(batch.astype(jnp.int32), (0, N_PAD - N_NODES),
                      constant_values=N_GRAPHS + 1).reshape(GRID, 1, R_BLK)

    zeros_deg = jnp.zeros((ROWS_PER_TILE, 16), jnp.float32)
    zeros_d = jnp.zeros((ROWS_PER_TILE, D), jnp.float32)

    deg_parts = _make_deg_sc()(col, zeros_deg)
    p1, dis = _mm1(x, W1, deg_parts[0], deg_parts[1])

    prop = _make_prop_sc()
    s1 = prop(p1, row, col, zeros_d)
    p2 = _combine_mm(s1, p1, dis, b1, W2)
    s2 = prop(p2, row, col, zeros_d)
    p3 = _combine_mm(s2, p2, dis, b2, W4)
    s3 = prop(p3, row, col, zeros_d)

    return _final(s3, p3, dis, b4, batch_r, Wd1, bd1, Wd2, bd2, Wo, bo)

# --- scband reference (transcript-rebuilt; emitter-appended) ---
"""Pipeline reference for scband-final-gcn-50757923504707 (READ-ONLY COPY).

The authoritative reference and input builder live on the scoring server;
editing this copy changes nothing except your own understanding.
"""

import jax, jax.numpy as jnp
import numpy as np

N_NODES = 10000
N_EDGES = 320000
D_IN = 128
D_HID = 128
N_GRAPHS = 64


def gcn_conv(x, edge_index, W, b):
    # PyG GCNConv: linear transform first, then symmetric-normalized propagation with self-loops
    n = x.shape[0]
    h = x @ W
    loop = jnp.arange(n, dtype=edge_index.dtype)
    row = jnp.concatenate([edge_index[0], loop])
    col = jnp.concatenate([edge_index[1], loop])
    deg = jnp.zeros((n,), dtype=h.dtype).at[col].add(1.0)
    deg_inv_sqrt = jnp.where(deg > 0, 1.0 / jnp.sqrt(deg), 0.0)
    norm = deg_inv_sqrt[row] * deg_inv_sqrt[col]
    msgs = h[row] * norm[:, None]
    out = jnp.zeros_like(h).at[col].add(msgs)
    return out + b


def global_mean_pool(x, batch, num_graphs):
    sums = jax.ops.segment_sum(x, batch, num_segments=num_graphs)
    counts = jax.ops.segment_sum(jnp.ones((x.shape[0],), dtype=x.dtype), batch, num_segments=num_graphs)
    return sums / jnp.clip(counts, 1.0)[:, None]


def setup_inputs(seed: int = 0) -> dict:
    key = jax.random.key(seed)
    ks = jax.random.split(key, 16)
    x = jax.random.normal(ks[0], (N_NODES, D_IN), dtype=jnp.float32)
    edge_index = jax.random.randint(ks[1], (2, N_EDGES), 0, N_NODES, dtype=jnp.int64)
    batch = jnp.sort(jax.random.randint(ks[2], (N_NODES,), 0, N_GRAPHS, dtype=jnp.int64))
    s_in = 1.0 / np.sqrt(D_IN)
    s_h = 1.0 / np.sqrt(D_HID)
    W1 = jax.random.uniform(ks[3], (D_IN, D_HID), jnp.float32, -s_in, s_in)
    b1 = jnp.zeros((D_HID,), jnp.float32)
    W2 = jax.random.uniform(ks[4], (D_HID, D_HID), jnp.float32, -s_h, s_h)
    b2 = jnp.zeros((D_HID,), jnp.float32)
    W4 = jax.random.uniform(ks[5], (D_HID, D_HID), jnp.float32, -s_h, s_h)
    b4 = jnp.zeros((D_HID,), jnp.float32)
    Wd1 = jax.random.uniform(ks[6], (D_HID, D_HID), jnp.float32, -s_h, s_h)
    bd1 = jax.random.uniform(ks[7], (D_HID,), jnp.float32, -s_h, s_h)
    Wd2 = jax.random.uniform(ks[8], (D_HID, D_HID), jnp.float32, -s_h, s_h)
    bd2 = jax.random.uniform(ks[9], (D_HID,), jnp.float32, -s_h, s_h)
    Wo = jax.random.uniform(ks[10], (D_HID, 1), jnp.float32, -s_h, s_h)
    bo = jax.random.uniform(ks[11], (1,), jnp.float32, -s_h, s_h)
    return {"x": x, "edge_index": edge_index, "batch": batch,
            "W1": W1, "b1": b1, "W2": W2, "b2": b2, "W4": W4, "b4": b4,
            "Wd1": Wd1, "bd1": bd1, "Wd2": Wd2, "bd2": bd2, "Wo": Wo, "bo": bo}


def reference(x, edge_index, batch, W1, b1, W2, b2, W4, b4, Wd1, bd1, Wd2, bd2, Wo, bo):
    # n_encoder_layers=2 path: conv1 -> relu -> conv2 -> relu -> conv4 -> pool -> decoder -> out
    # dropout is identity in eval mode
    h = gcn_conv(x, edge_index, W1, b1)
    h = jax.nn.relu(h)
    h = gcn_conv(h, edge_index, W2, b2)
    h = jax.nn.relu(h)
    h = gcn_conv(h, edge_index, W4, b4)
    g = global_mean_pool(h, batch, N_GRAPHS)
    g = jax.nn.relu(g @ Wd1 + bd1)
    g = jax.nn.relu(g @ Wd2 + bd2)
    out = g @ Wo + bo
    return out

if __name__ == "__main__":
    import jax
    _d = setup_inputs()
    print(jax.jit(kernel)(*tuple(_d.values())))

</pallas_src>

<mosaic_0001>
#map = affine_map<(d0, d1) -> (0)>
#map1 = affine_map<(d0, d1) -> (0, 0)>
#map2 = affine_map<(d0, d1) -> (0, 0, 0)>
module attributes {stable_mosaic.version = 14 : i64} {
  func.func @_deg_sc_body(%arg0: i32, %arg1: i32, %arg2: memref<320000xi32, #tpu.memory_space<hbm>>, %arg3: memref<640x16xf32, #tpu.memory_space<hbm>>, %arg4: memref<2x10240x16xf32, #tpu.memory_space<hbm>>, %arg5: memref<1x80xi32, #tpu.memory_space<vmem>>, %arg6: memref<80x16xf32, #tpu.memory_space<vmem>>, %arg7: memref<10240x16xf32, #tpu.memory_space<vmem_shared>>, %arg8: memref<!tpu.dma_semaphore, #tpu.memory_space<semaphore_mem>>) attributes {dimension_semantics = [#tpu.dimension_semantics<core_parallel>, #tpu.dimension_semantics<subcore_parallel>], iteration_bounds = array<i64: 2, 16>, scalar_prefetch = 0 : i64, scratch_operands = 4 : i64, tpu.core_type = #tpu.core_type<sc_vector_subcore>, window_params = [{transform_indices = #map}, {transform_indices = #map1}, {transform_indices = #map2}]} {
    %mul3A = arith.constant 16 : i32
    %mul3A_0 = arith.muli %arg0, %mul3A : i32
    %add3A = arith.addi %mul3A_0, %arg1 : i32
    %mul3A_1 = arith.constant 640 : i32
    %mul3A_2 = arith.muli %arg1, %mul3A_1 : i32
    %scan3A = arith.constant 0 : i32
    %scan3A_3 = arith.constant 0 : i32
    %scan3A_4 = arith.constant 80 : i32
    %scan3A_5 = arith.addi %scan3A_3, %scan3A_4 : i32
    %scan3A_6 = arith.constant 1 : i32
    scf.for %scan3A_15 = %scan3A_3 to %scan3A_5 step %scan3A_6  : i32 {
      %broadcast_in_dim3A = arith.constant 1.000000e+00 : f32
      %broadcast_in_dim3A_16 = vector.broadcast %broadcast_in_dim3A : f32 to vector<16xf32>
      %swap3A = arith.index_cast %scan3A_15 : i32 to index
      %swap3A_17 = arith.constant 0 : index
      %swap3A_18 = tpu.vector_load %arg6[%swap3A, %swap3A_17] {strides = array<i32>} : memref<80x16xf32, #tpu.memory_space<vmem>>, vector<1x16xf32>,
      %swap3A_19 = vector.shape_cast %swap3A_18 : vector<1x16xf32> to vector<16xf32>
      %swap3A_20 = vector.shape_cast %broadcast_in_dim3A_16 : vector<16xf32> to vector<1x16xf32>
      tpu.vector_store %arg6[%swap3A, %swap3A_17], %swap3A_20 {strides = array<i32>} : memref<80x16xf32, #tpu.memory_space<vmem>>, vector<1x16xf32>,
    }
    %scan3A_7 = arith.constant 80 : i32
    "tpu.region"() ({
      %run_scoped3A = tpu.sem_alloc : memref<!tpu.dma_semaphore, #tpu.memory_space<semaphore_mem>>
      %dma_start3A = arith.constant 0 : i32
      %dma_start3A_15 = tpu.memref_slice %arg7[%mul3A_2, %dma_start3A] : memref<10240x16xf32, #tpu.memory_space<vmem_shared>> -> memref<640x16xf32, #tpu.memory_space<vmem_shared>>
      tpu.enqueue_dma source(%arg3 : memref<640x16xf32, #tpu.memory_space<hbm>>) target(%dma_start3A_15 : memref<640x16xf32, #tpu.memory_space<vmem_shared>>) target_semaphore(%run_scoped3A : memref<!tpu.dma_semaphore, #tpu.memory_space<semaphore_mem>>)
      %dma_wait3A = arith.constant 0 : i32
      %dma_wait3A_16 = tpu.memref_slice %arg7[%mul3A_2, %dma_wait3A] : memref<10240x16xf32, #tpu.memory_space<vmem_shared>> -> memref<640x16xf32, #tpu.memory_space<vmem_shared>>
      tpu.wait_dma2 semaphore(%run_scoped3A : memref<!tpu.dma_semaphore, #tpu.memory_space<semaphore_mem>>) src(%arg3 : memref<640x16xf32, #tpu.memory_space<hbm>>) dst(%dma_wait3A_16 : memref<640x16xf32, #tpu.memory_space<vmem_shared>>)
      tpu.yield
    }) : () -> ()
    %barrier3A = arith.constant 0 : index
    tpu.barrier barrier_id(%barrier3A)
    %scan3A_8 = arith.constant 0 : i32
    %scan3A_9 = arith.constant 0 : i32
    %scan3A_10 = arith.constant 125 : i32
    %scan3A_11 = arith.addi %scan3A_9, %scan3A_10 : i32
    %scan3A_12 = arith.constant 1 : i32
    scf.for %scan3A_15 = %scan3A_9 to %scan3A_11 step %scan3A_12  : i32 {
      %mul3A_16 = arith.constant 10000 : i32
      %mul3A_17 = arith.muli %add3A, %mul3A_16 : i32
      %mul3A_18 = arith.constant 80 : i32
      %mul3A_19 = arith.muli %scan3A_15, %mul3A_18 : i32
      %add3A_20 = arith.addi %mul3A_17, %mul3A_19 : i32
      %run_scoped3A = arith.constant 0 : i32
      "tpu.region"() ({
        %run_scoped3A_22 = tpu.sem_alloc : memref<!tpu.dma_semaphore, #tpu.memory_space<semaphore_mem>>
        %dma_start3A = arith.constant 0 : i32
        %dma_start3A_23 = tpu.memref_slice %arg5[%run_scoped3A, %dma_start3A] : memref<1x80xi32, #tpu.memory_space<vmem>> -> memref<1x80xi32, #tpu.memory_space<vmem>>
        %dma_start3A_24 = tpu.memref_squeeze %dma_start3A_23 : memref<1x80xi32, #tpu.memory_space<vmem>> -> memref<80xi32, #tpu.memory_space<vmem>>
        %dma_start3A_25 = tpu.memref_slice %arg2[%add3A_20] : memref<320000xi32, #tpu.memory_space<hbm>> -> memref<80xi32, #tpu.memory_space<hbm>>
        %dma_start3A_26 = arith.constant 0 : i32
        %dma_start3A_27 = tpu.memref_slice %arg5[%run_scoped3A, %dma_start3A_26] : memref<1x80xi32, #tpu.memory_space<vmem>> -> memref<1x80xi32, #tpu.memory_space<vmem>>
        %dma_start3A_28 = tpu.memref_squeeze %dma_start3A_27 : memref<1x80xi32, #tpu.memory_space<vmem>> -> memref<80xi32, #tpu.memory_space<vmem>>
        %dma_start3A_29 = tpu.memref_slice %arg2[%add3A_20] : memref<320000xi32, #tpu.memory_space<hbm>> -> memref<80xi32, #tpu.memory_space<hbm>>
        tpu.enqueue_dma source(%dma_start3A_29 : memref<80xi32, #tpu.memory_space<hbm>>) target(%dma_start3A_28 : memref<80xi32, #tpu.memory_space<vmem>>) target_semaphore(%run_scoped3A_22 : memref<!tpu.dma_semaphore, #tpu.memory_space<semaphore_mem>>)
        %dma_wait3A = arith.constant 0 : i32
        %dma_wait3A_30 = tpu.memref_slice %arg5[%run_scoped3A, %dma_wait3A] : memref<1x80xi32, #tpu.memory_space<vmem>> -> memref<1x80xi32, #tpu.memory_space<vmem>>
        %dma_wait3A_31 = tpu.memref_squeeze %dma_wait3A_30 : memref<1x80xi32, #tpu.memory_space<vmem>> -> memref<80xi32, #tpu.memory_space<vmem>>
        %dma_wait3A_32 = tpu.memref_slice %arg2[%add3A_20] : memref<320000xi32, #tpu.memory_space<hbm>> -> memref<80xi32, #tpu.memory_space<hbm>>
        %dma_wait3A_33 = arith.constant 0 : i32
        %dma_wait3A_34 = tpu.memref_slice %arg5[%run_scoped3A, %dma_wait3A_33] : memref<1x80xi32, #tpu.memory_space<vmem>> -> memref<1x80xi32, #tpu.memory_space<vmem>>
        %dma_wait3A_35 = tpu.memref_squeeze %dma_wait3A_34 : memref<1x80xi32, #tpu.memory_space<vmem>> -> memref<80xi32, #tpu.memory_space<vmem>>
        %dma_wait3A_36 = tpu.memref_slice %arg2[%add3A_20] : memref<320000xi32, #tpu.memory_space<hbm>> -> memref<80xi32, #tpu.memory_space<hbm>>
        tpu.wait_dma2 semaphore(%run_scoped3A_22 : memref<!tpu.dma_semaphore, #tpu.memory_space<semaphore_mem>>) src(%dma_wait3A_36 : memref<80xi32, #tpu.memory_space<hbm>>) dst(%dma_wait3A_35 : memref<80xi32, #tpu.memory_space<vmem>>)
        tpu.yield
      }) : () -> ()
      %run_scoped3A_21 = arith.constant 0 : i32
      "tpu.region"() ({
        %run_scoped3A_22 = tpu.sem_alloc : memref<!tpu.dma_semaphore, #tpu.memory_space<semaphore_mem>>
        %dma_start3A = arith.constant 0 : i32
        %dma_start3A_23 = tpu.memref_slice %arg5[%run_scoped3A_21, %dma_start3A] : memref<1x80xi32, #tpu.memory_space<vmem>> -> memref<1x80xi32, #tpu.memory_space<vmem>>
        %dma_start3A_24 = tpu.memref_squeeze %dma_start3A_23 : memref<1x80xi32, #tpu.memory_space<vmem>> -> memref<80xi32, #tpu.memory_space<vmem>>
        %dma_start3A_25 = arith.constant 0 : i32
        %dma_start3A_26 = arith.constant 0 : i32
        %dma_start3A_27 = tpu.memref_slice %arg7[%dma_start3A_25, %dma_start3A_26] : memref<10240x16xf32, #tpu.memory_space<vmem_shared>> -> memref<10240x16xf32, #tpu.memory_space<vmem_shared>>
        tpu.enqueue_indirect_dma source(%arg6 : memref<80x16xf32, #tpu.memory_space<vmem>>) target(%dma_start3A_27 : memref<10240x16xf32, #tpu.memory_space<vmem_shared>>) offsets(%dma_start3A_24 : memref<80xi32, #tpu.memory_space<vmem>>) semaphore(%run_scoped3A_22 : memref<!tpu.dma_semaphore, #tpu.memory_space<semaphore_mem>>) {add = true}
        %dma_wait3A = arith.constant 0 : i32
        %dma_wait3A_28 = tpu.memref_slice %arg5[%run_scoped3A_21, %dma_wait3A] : memref<1x80xi32, #tpu.memory_space<vmem>> -> memref<1x80xi32, #tpu.memory_space<vmem>>
        %dma_wait3A_29 = tpu.memref_squeeze %dma_wait3A_28 : memref<1x80xi32, #tpu.memory_space<vmem>> -> memref<80xi32, #tpu.memory_space<vmem>>
        %dma_wait3A_30 = arith.constant 0 : i32
        %dma_wait3A_31 = arith.constant 0 : i32
        %dma_wait3A_32 = tpu.memref_slice %arg7[%dma_wait3A_30, %dma_wait3A_31] : memref<10240x16xf32, #tpu.memory_space<vmem_shared>> -> memref<10240x16xf32, #tpu.memory_space<vmem_shared>>
        tpu.wait_indirect_dma semaphore(%run_scoped3A_22 : memref<!tpu.dma_semaphore, #tpu.memory_space<semaphore_mem>>) src(%arg6 : memref<80x16xf32, #tpu.memory_space<vmem>>) dst(%dma_wait3A_32 : memref<10240x16xf32, #tpu.memory_space<vmem_shared>>)
        tpu.yield
      }) : () -> ()
    }
    %scan3A_13 = arith.constant 125 : i32
    %barrier3A_14 = arith.constant 0 : index
    tpu.barrier barrier_id(%barrier3A_14)
    "tpu.region"() ({
      %run_scoped3A = tpu.sem_alloc : memref<!tpu.dma_semaphore, #tpu.memory_space<semaphore_mem>>
      %dma_start3A = arith.constant 0 : i32
      %dma_start3A_15 = tpu.memref_slice %arg4[%arg0, %mul3A_2, %dma_start3A] : memref<2x10240x16xf32, #tpu.memory_space<hbm>> -> memref<1x640x16xf32, #tpu.memory_space<hbm>>
      %dma_start3A_16 = tpu.memref_squeeze %dma_start3A_15 : memref<1x640x16xf32, #tpu.memory_space<hbm>> -> memref<640x16xf32, #tpu.memory_space<hbm>>
      %dma_start3A_17 = arith.constant 0 : i32
      %dma_start3A_18 = tpu.memref_slice %arg7[%mul3A_2, %dma_start3A_17] : memref<10240x16xf32, #tpu.memory_space<vmem_shared>> -> memref<640x16xf32, #tpu.memory_space<vmem_shared>>
      tpu.enqueue_dma source(%dma_start3A_18 : memref<640x16xf32, #tpu.memory_space<vmem_shared>>) target(%dma_start3A_16 : memref<640x16xf32, #tpu.memory_space<hbm>>) target_semaphore(%run_scoped3A : memref<!tpu.dma_semaphore, #tpu.memory_space<semaphore_mem>>)
      %dma_wait3A = arith.constant 0 : i32
      %dma_wait3A_19 = tpu.memref_slice %arg4[%arg0, %mul3A_2, %dma_wait3A] : memref<2x10240x16xf32, #tpu.memory_space<hbm>> -> memref<1x640x16xf32, #tpu.memory_space<hbm>>
      %dma_wait3A_20 = tpu.memref_squeeze %dma_wait3A_19 : memref<1x640x16xf32, #tpu.memory_space<hbm>> -> memref<640x16xf32, #tpu.memory_space<hbm>>
      %dma_wait3A_21 = arith.constant 0 : i32
      %dma_wait3A_22 = tpu.memref_slice %arg7[%mul3A_2, %dma_wait3A_21] : memref<10240x16xf32, #tpu.memory_space<vmem_shared>> -> memref<640x16xf32, #tpu.memory_space<vmem_shared>>
      tpu.wait_dma2 semaphore(%run_scoped3A : memref<!tpu.dma_semaphore, #tpu.memory_space<semaphore_mem>>) src(%dma_wait3A_22 : memref<640x16xf32, #tpu.memory_space<vmem_shared>>) dst(%dma_wait3A_20 : memref<640x16xf32, #tpu.memory_space<hbm>>)
      tpu.yield
    }) : () -> ()
    return
  }
}

#map = affine_map<(d0, d1) -> (0, 0)>
#map1 = affine_map<(d0, d1) -> (0)>
#map2 = affine_map<(d0, d1) -> (0, 0, 0)>
module attributes {stable_mosaic.version = 14 : i64} {
  func.func @_prop_sc_body(%arg0: i32, %arg1: i32, %arg2: memref<10240x128xf32, #tpu.memory_space<hbm>>, %arg3: memref<320000xi32, #tpu.memory_space<hbm>>, %arg4: memref<320000xi32, #tpu.memory_space<hbm>>, %arg5: memref<640x128xf32, #tpu.memory_space<hbm>>, %arg6: memref<2x10240x128xf32, #tpu.memory_space<hbm>>, %arg7: memref<80xi32, #tpu.memory_space<vmem>>, %arg8: memref<1x80xi32, #tpu.memory_space<vmem>>, %arg9: memref<80x128xf32, #tpu.memory_space<vmem>>, %arg10: memref<10240x128xf32, #tpu.memory_space<vmem_shared>>, %arg11: memref<!tpu.dma_semaphore, #tpu.memory_space<semaphore_mem>>) attributes {dimension_semantics = [#tpu.dimension_semantics<core_parallel>, #tpu.dimension_semantics<subcore_parallel>], iteration_bounds = array<i64: 2, 16>, scalar_prefetch = 0 : i64, scratch_operands = 5 : i64, tpu.core_type = #tpu.core_type<sc_vector_subcore>, window_params = [{transform_indices = #map}, {transform_indices = #map1}, {transform_indices = #map1}, {transform_indices = #map}, {transform_indices = #map2}]} {
    %mul3A = arith.constant 16 : i32
    %mul3A_0 = arith.muli %arg0, %mul3A : i32
    %add3A = arith.addi %mul3A_0, %arg1 : i32
    %mul3A_1 = arith.constant 640 : i32
    %mul3A_2 = arith.muli %arg1, %mul3A_1 : i32
    "tpu.region"() ({
      %run_scoped3A = tpu.sem_alloc : memref<!tpu.dma_semaphore, #tpu.memory_space<semaphore_mem>>
      %dma_start3A = arith.constant 0 : i32
      %dma_start3A_9 = tpu.memref_slice %arg10[%mul3A_2, %dma_start3A] : memref<10240x128xf32, #tpu.memory_space<vmem_shared>> -> memref<640x128xf32, #tpu.memory_space<vmem_shared>>
      tpu.enqueue_dma source(%arg5 : memref<640x128xf32, #tpu.memory_space<hbm>>) target(%dma_start3A_9 : memref<640x128xf32, #tpu.memory_space<vmem_shared>>) target_semaphore(%run_scoped3A : memref<!tpu.dma_semaphore, #tpu.memory_space<semaphore_mem>>)
      %dma_wait3A = arith.constant 0 : i32
      %dma_wait3A_10 = tpu.memref_slice %arg10[%mul3A_2, %dma_wait3A] : memref<10240x128xf32, #tpu.memory_space<vmem_shared>> -> memref<640x128xf32, #tpu.memory_space<vmem_shared>>
      tpu.wait_dma2 semaphore(%run_scoped3A : memref<!tpu.dma_semaphore, #tpu.memory_space<semaphore_mem>>) src(%arg5 : memref<640x128xf32, #tpu.memory_space<hbm>>) dst(%dma_wait3A_10 : memref<640x128xf32, #tpu.memory_space<vmem_shared>>)
      tpu.yield
    }) : () -> ()
    %barrier3A = arith.constant 0 : index
    tpu.barrier barrier_id(%barrier3A)
    %scan3A = arith.constant 0 : i32
    %scan3A_3 = arith.constant 0 : i32
    %scan3A_4 = arith.constant 125 : i32
    %scan3A_5 = arith.addi %scan3A_3, %scan3A_4 : i32
    %scan3A_6 = arith.constant 1 : i32
    scf.for %scan3A_9 = %scan3A_3 to %scan3A_5 step %scan3A_6  : i32 {
      %mul3A_10 = arith.constant 10000 : i32
      %mul3A_11 = arith.muli %add3A, %mul3A_10 : i32
      %mul3A_12 = arith.constant 80 : i32
      %mul3A_13 = arith.muli %scan3A_9, %mul3A_12 : i32
      %add3A_14 = arith.addi %mul3A_11, %mul3A_13 : i32
      "tpu.region"() ({
        %run_scoped3A_20 = tpu.sem_alloc : memref<!tpu.dma_semaphore, #tpu.memory_space<semaphore_mem>>
        %dma_start3A_21 = tpu.memref_slice %arg3[%add3A_14] : memref<320000xi32, #tpu.memory_space<hbm>> -> memref<80xi32, #tpu.memory_space<hbm>>
        %dma_start3A_22 = tpu.memref_slice %arg3[%add3A_14] : memref<320000xi32, #tpu.memory_space<hbm>> -> memref<80xi32, #tpu.memory_space<hbm>>
        tpu.enqueue_dma source(%dma_start3A_22 : memref<80xi32, #tpu.memory_space<hbm>>) target(%arg7 : memref<80xi32, #tpu.memory_space<vmem>>) target_semaphore(%run_scoped3A_20 : memref<!tpu.dma_semaphore, #tpu.memory_space<semaphore_mem>>)
        %dma_wait3A_23 = tpu.memref_slice %arg3[%add3A_14] : memref<320000xi32, #tpu.memory_space<hbm>> -> memref<80xi32, #tpu.memory_space<hbm>>
        %dma_wait3A_24 = tpu.memref_slice %arg3[%add3A_14] : memref<320000xi32, #tpu.memory_space<hbm>> -> memref<80xi32, #tpu.memory_space<hbm>>
        tpu.wait_dma2 semaphore(%run_scoped3A_20 : memref<!tpu.dma_semaphore, #tpu.memory_space<semaphore_mem>>) src(%dma_wait3A_24 : memref<80xi32, #tpu.memory_space<hbm>>) dst(%arg7 : memref<80xi32, #tpu.memory_space<vmem>>)
        tpu.yield
      }) : () -> ()
      %run_scoped3A = arith.constant 0 : i32
      "tpu.region"() ({
        %run_scoped3A_20 = tpu.sem_alloc : memref<!tpu.dma_semaphore, #tpu.memory_space<semaphore_mem>>
        %dma_start3A_21 = arith.constant 0 : i32
        %dma_start3A_22 = tpu.memref_slice %arg8[%run_scoped3A, %dma_start3A_21] : memref<1x80xi32, #tpu.memory_space<vmem>> -> memref<1x80xi32, #tpu.memory_space<vmem>>
        %dma_start3A_23 = tpu.memref_squeeze %dma_start3A_22 : memref<1x80xi32, #tpu.memory_space<vmem>> -> memref<80xi32, #tpu.memory_space<vmem>>
        %dma_start3A_24 = tpu.memref_slice %arg4[%add3A_14] : memref<320000xi32, #tpu.memory_space<hbm>> -> memref<80xi32, #tpu.memory_space<hbm>>
        %dma_start3A_25 = arith.constant 0 : i32
        %dma_start3A_26 = tpu.memref_slice %arg8[%run_scoped3A, %dma_start3A_25] : memref<1x80xi32, #tpu.memory_space<vmem>> -> memref<1x80xi32, #tpu.memory_space<vmem>>
        %dma_start3A_27 = tpu.memref_squeeze %dma_start3A_26 : memref<1x80xi32, #tpu.memory_space<vmem>> -> memref<80xi32, #tpu.memory_space<vmem>>
        %dma_start3A_28 = tpu.memref_slice %arg4[%add3A_14] : memref<320000xi32, #tpu.memory_space<hbm>> -> memref<80xi32, #tpu.memory_space<hbm>>
        tpu.enqueue_dma source(%dma_start3A_28 : memref<80xi32, #tpu.memory_space<hbm>>) target(%dma_start3A_27 : memref<80xi32, #tpu.memory_space<vmem>>) target_semaphore(%run_scoped3A_20 : memref<!tpu.dma_semaphore, #tpu.memory_space<semaphore_mem>>)
        %dma_wait3A_29 = arith.constant 0 : i32
        %dma_wait3A_30 = tpu.memref_slice %arg8[%run_scoped3A, %dma_wait3A_29] : memref<1x80xi32, #tpu.memory_space<vmem>> -> memref<1x80xi32, #tpu.memory_space<vmem>>
        %dma_wait3A_31 = tpu.memref_squeeze %dma_wait3A_30 : memref<1x80xi32, #tpu.memory_space<vmem>> -> memref<80xi32, #tpu.memory_space<vmem>>
        %dma_wait3A_32 = tpu.memref_slice %arg4[%add3A_14] : memref<320000xi32, #tpu.memory_space<hbm>> -> memref<80xi32, #tpu.memory_space<hbm>>
        %dma_wait3A_33 = arith.constant 0 : i32
        %dma_wait3A_34 = tpu.memref_slice %arg8[%run_scoped3A, %dma_wait3A_33] : memref<1x80xi32, #tpu.memory_space<vmem>> -> memref<1x80xi32, #tpu.memory_space<vmem>>
        %dma_wait3A_35 = tpu.memref_squeeze %dma_wait3A_34 : memref<1x80xi32, #tpu.memory_space<vmem>> -> memref<80xi32, #tpu.memory_space<vmem>>
        %dma_wait3A_36 = tpu.memref_slice %arg4[%add3A_14] : memref<320000xi32, #tpu.memory_space<hbm>> -> memref<80xi32, #tpu.memory_space<hbm>>
        tpu.wait_dma2 semaphore(%run_scoped3A_20 : memref<!tpu.dma_semaphore, #tpu.memory_space<semaphore_mem>>) src(%dma_wait3A_36 : memref<80xi32, #tpu.memory_space<hbm>>) dst(%dma_wait3A_35 : memref<80xi32, #tpu.memory_space<vmem>>)
        tpu.yield
      }) : () -> ()
      %dma_start3A = arith.constant 0 : i32
      %dma_start3A_15 = arith.constant 0 : i32
      %dma_start3A_16 = tpu.memref_slice %arg2[%dma_start3A, %dma_start3A_15] : memref<10240x128xf32, #tpu.memory_space<hbm>> -> memref<10240x128xf32, #tpu.memory_space<hbm>>
      tpu.enqueue_indirect_dma source(%dma_start3A_16 : memref<10240x128xf32, #tpu.memory_space<hbm>>) target(%arg9 : memref<80x128xf32, #tpu.memory_space<vmem>>) offsets(%arg7 : memref<80xi32, #tpu.memory_space<vmem>>) semaphore(%arg11 : memref<!tpu.dma_semaphore, #tpu.memory_space<semaphore_mem>>)
      %dma_wait3A = arith.constant 0 : i32
      %dma_wait3A_17 = arith.constant 0 : i32
      %dma_wait3A_18 = tpu.memref_slice %arg2[%dma_wait3A, %dma_wait3A_17] : memref<10240x128xf32, #tpu.memory_space<hbm>> -> memref<10240x128xf32, #tpu.memory_space<hbm>>
      tpu.wait_indirect_dma semaphore(%arg11 : memref<!tpu.dma_semaphore, #tpu.memory_space<semaphore_mem>>) src(%dma_wait3A_18 : memref<10240x128xf32, #tpu.memory_space<hbm>>) dst(%arg9 : memref<80x128xf32, #tpu.memory_space<vmem>>)
      %run_scoped3A_19 = arith.constant 0 : i32
      "tpu.region"() ({
        %run_scoped3A_20 = tpu.sem_alloc : memref<!tpu.dma_semaphore, #tpu.memory_space<semaphore_mem>>
        %dma_start3A_21 = arith.constant 0 : i32
        %dma_start3A_22 = tpu.memref_slice %arg8[%run_scoped3A_19, %dma_start3A_21] : memref<1x80xi32, #tpu.memory_space<vmem>> -> memref<1x80xi32, #tpu.memory_space<vmem>>
        %dma_start3A_23 = tpu.memref_squeeze %dma_start3A_22 : memref<1x80xi32, #tpu.memory_space<vmem>> -> memref<80xi32, #tpu.memory_space<vmem>>
        %dma_start3A_24 = arith.constant 0 : i32
        %dma_start3A_25 = arith.constant 0 : i32
        %dma_start3A_26 = tpu.memref_slice %arg10[%dma_start3A_24, %dma_start3A_25] : memref<10240x128xf32, #tpu.memory_space<vmem_shared>> -> memref<10240x128xf32, #tpu.memory_space<vmem_shared>>
        tpu.enqueue_indirect_dma source(%arg9 : memref<80x128xf32, #tpu.memory_space<vmem>>) target(%dma_start3A_26 : memref<10240x128xf32, #tpu.memory_space<vmem_shared>>) offsets(%dma_start3A_23 : memref<80xi32, #tpu.memory_space<vmem>>) semaphore(%run_scoped3A_20 : memref<!tpu.dma_semaphore, #tpu.memory_space<semaphore_mem>>) {add = true}
        %dma_wait3A_27 = arith.constant 0 : i32
        %dma_wait3A_28 = tpu.memref_slice %arg8[%run_scoped3A_19, %dma_wait3A_27] : memref<1x80xi32, #tpu.memory_space<vmem>> -> memref<1x80xi32, #tpu.memory_space<vmem>>
        %dma_wait3A_29 = tpu.memref_squeeze %dma_wait3A_28 : memref<1x80xi32, #tpu.memory_space<vmem>> -> memref<80xi32, #tpu.memory_space<vmem>>
        %dma_wait3A_30 = arith.constant 0 : i32
        %dma_wait3A_31 = arith.constant 0 : i32
        %dma_wait3A_32 = tpu.memref_slice %arg10[%dma_wait3A_30, %dma_wait3A_31] : memref<10240x128xf32, #tpu.memory_space<vmem_shared>> -> memref<10240x128xf32, #tpu.memory_space<vmem_shared>>
        tpu.wait_indirect_dma semaphore(%run_scoped3A_20 : memref<!tpu.dma_semaphore, #tpu.memory_space<semaphore_mem>>) src(%arg9 : memref<80x128xf32, #tpu.memory_space<vmem>>) dst(%dma_wait3A_32 : memref<10240x128xf32, #tpu.memory_space<vmem_shared>>)
        tpu.yield
      }) : () -> ()
    }
    %scan3A_7 = arith.constant 125 : i32
    %barrier3A_8 = arith.constant 0 : index
    tpu.barrier barrier_id(%barrier3A_8)
    "tpu.region"() ({
      %run_scoped3A = tpu.sem_alloc : memref<!tpu.dma_semaphore, #tpu.memory_space<semaphore_mem>>
      %dma_start3A = arith.constant 0 : i32
      %dma_start3A_9 = tpu.memref_slice %arg6[%arg0, %mul3A_2, %dma_start3A] : memref<2x10240x128xf32, #tpu.memory_space<hbm>> -> memref<1x640x128xf32, #tpu.memory_space<hbm>>
      %dma_start3A_10 = tpu.memref_squeeze %dma_start3A_9 : memref<1x640x128xf32, #tpu.memory_space<hbm>> -> memref<640x128xf32, #tpu.memory_space<hbm>>
      %dma_start3A_11 = arith.constant 0 : i32
      %dma_start3A_12 = tpu.memref_slice %arg10[%mul3A_2, %dma_start3A_11] : memref<10240x128xf32, #tpu.memory_space<vmem_shared>> -> memref<640x128xf32, #tpu.memory_space<vmem_shared>>
      tpu.enqueue_dma source(%dma_start3A_12 : memref<640x128xf32, #tpu.memory_space<vmem_shared>>) target(%dma_start3A_10 : memref<640x128xf32, #tpu.memory_space<hbm>>) target_semaphore(%run_scoped3A : memref<!tpu.dma_semaphore, #tpu.memory_space<semaphore_mem>>)
      %dma_wait3A = arith.constant 0 : i32
      %dma_wait3A_13 = tpu.memref_slice %arg6[%arg0, %mul3A_2, %dma_wait3A] : memref<2x10240x128xf32, #tpu.memory_space<hbm>> -> memref<1x640x128xf32, #tpu.memory_space<hbm>>
      %dma_wait3A_14 = tpu.memref_squeeze %dma_wait3A_13 : memref<1x640x128xf32, #tpu.memory_space<hbm>> -> memref<640x128xf32, #tpu.memory_space<hbm>>
      %dma_wait3A_15 = arith.constant 0 : i32
      %dma_wait3A_16 = tpu.memref_slice %arg10[%mul3A_2, %dma_wait3A_15] : memref<10240x128xf32, #tpu.memory_space<vmem_shared>> -> memref<640x128xf32, #tpu.memory_space<vmem_shared>>
      tpu.wait_dma2 semaphore(%run_scoped3A : memref<!tpu.dma_semaphore, #tpu.memory_space<semaphore_mem>>) src(%dma_wait3A_16 : memref<640x128xf32, #tpu.memory_space<vmem_shared>>) dst(%dma_wait3A_14 : memref<640x128xf32, #tpu.memory_space<hbm>>)
      tpu.yield
    }) : () -> ()
    return
  }
}

#map = affine_map<(d0, d1) -> (0, 0)>
#map1 = affine_map<(d0, d1) -> (0)>
#map2 = affine_map<(d0, d1) -> (0, 0, 0)>
module attributes {stable_mosaic.version = 14 : i64} {
  func.func @_prop_sc_body(%arg0: i32, %arg1: i32, %arg2: memref<10240x128xf32, #tpu.memory_space<hbm>>, %arg3: memref<320000xi32, #tpu.memory_space<hbm>>, %arg4: memref<320000xi32, #tpu.memory_space<hbm>>, %arg5: memref<640x128xf32, #tpu.memory_space<hbm>>, %arg6: memref<2x10240x128xf32, #tpu.memory_space<hbm>>, %arg7: memref<80xi32, #tpu.memory_space<vmem>>, %arg8: memref<1x80xi32, #tpu.memory_space<vmem>>, %arg9: memref<80x128xf32, #tpu.memory_space<vmem>>, %arg10: memref<10240x128xf32, #tpu.memory_space<vmem_shared>>, %arg11: memref<!tpu.dma_semaphore, #tpu.memory_space<semaphore_mem>>) attributes {dimension_semantics = [#tpu.dimension_semantics<core_parallel>, #tpu.dimension_semantics<subcore_parallel>], iteration_bounds = array<i64: 2, 16>, scalar_prefetch = 0 : i64, scratch_operands = 5 : i64, tpu.core_type = #tpu.core_type<sc_vector_subcore>, window_params = [{transform_indices = #map}, {transform_indices = #map1}, {transform_indices = #map1}, {transform_indices = #map}, {transform_indices = #map2}]} {
    %mul3A = arith.constant 16 : i32
    %mul3A_0 = arith.muli %arg0, %mul3A : i32
    %add3A = arith.addi %mul3A_0, %arg1 : i32
    %mul3A_1 = arith.constant 640 : i32
    %mul3A_2 = arith.muli %arg1, %mul3A_1 : i32
    "tpu.region"() ({
      %run_scoped3A = tpu.sem_alloc : memref<!tpu.dma_semaphore, #tpu.memory_space<semaphore_mem>>
      %dma_start3A = arith.constant 0 : i32
      %dma_start3A_9 = tpu.memref_slice %arg10[%mul3A_2, %dma_start3A] : memref<10240x128xf32, #tpu.memory_space<vmem_shared>> -> memref<640x128xf32, #tpu.memory_space<vmem_shared>>
      tpu.enqueue_dma source(%arg5 : memref<640x128xf32, #tpu.memory_space<hbm>>) target(%dma_start3A_9 : memref<640x128xf32, #tpu.memory_space<vmem_shared>>) target_semaphore(%run_scoped3A : memref<!tpu.dma_semaphore, #tpu.memory_space<semaphore_mem>>)
      %dma_wait3A = arith.constant 0 : i32
      %dma_wait3A_10 = tpu.memref_slice %arg10[%mul3A_2, %dma_wait3A] : memref<10240x128xf32, #tpu.memory_space<vmem_shared>> -> memref<640x128xf32, #tpu.memory_space<vmem_shared>>
      tpu.wait_dma2 semaphore(%run_scoped3A : memref<!tpu.dma_semaphore, #tpu.memory_space<semaphore_mem>>) src(%arg5 : memref<640x128xf32, #tpu.memory_space<hbm>>) dst(%dma_wait3A_10 : memref<640x128xf32, #tpu.memory_space<vmem_shared>>)
      tpu.yield
    }) : () -> ()
    %barrier3A = arith.constant 0 : index
    tpu.barrier barrier_id(%barrier3A)
    %scan3A = arith.constant 0 : i32
    %scan3A_3 = arith.constant 0 : i32
    %scan3A_4 = arith.constant 125 : i32
    %scan3A_5 = arith.addi %scan3A_3, %scan3A_4 : i32
    %scan3A_6 = arith.constant 1 : i32
    scf.for %scan3A_9 = %scan3A_3 to %scan3A_5 step %scan3A_6  : i32 {
      %mul3A_10 = arith.constant 10000 : i32
      %mul3A_11 = arith.muli %add3A, %mul3A_10 : i32
      %mul3A_12 = arith.constant 80 : i32
      %mul3A_13 = arith.muli %scan3A_9, %mul3A_12 : i32
      %add3A_14 = arith.addi %mul3A_11, %mul3A_13 : i32
      "tpu.region"() ({
        %run_scoped3A_20 = tpu.sem_alloc : memref<!tpu.dma_semaphore, #tpu.memory_space<semaphore_mem>>
        %dma_start3A_21 = tpu.memref_slice %arg3[%add3A_14] : memref<320000xi32, #tpu.memory_space<hbm>> -> memref<80xi32, #tpu.memory_space<hbm>>
        %dma_start3A_22 = tpu.memref_slice %arg3[%add3A_14] : memref<320000xi32, #tpu.memory_space<hbm>> -> memref<80xi32, #tpu.memory_space<hbm>>
        tpu.enqueue_dma source(%dma_start3A_22 : memref<80xi32, #tpu.memory_space<hbm>>) target(%arg7 : memref<80xi32, #tpu.memory_space<vmem>>) target_semaphore(%run_scoped3A_20 : memref<!tpu.dma_semaphore, #tpu.memory_space<semaphore_mem>>)
        %dma_wait3A_23 = tpu.memref_slice %arg3[%add3A_14] : memref<320000xi32, #tpu.memory_space<hbm>> -> memref<80xi32, #tpu.memory_space<hbm>>
        %dma_wait3A_24 = tpu.memref_slice %arg3[%add3A_14] : memref<320000xi32, #tpu.memory_space<hbm>> -> memref<80xi32, #tpu.memory_space<hbm>>
        tpu.wait_dma2 semaphore(%run_scoped3A_20 : memref<!tpu.dma_semaphore, #tpu.memory_space<semaphore_mem>>) src(%dma_wait3A_24 : memref<80xi32, #tpu.memory_space<hbm>>) dst(%arg7 : memref<80xi32, #tpu.memory_space<vmem>>)
        tpu.yield
      }) : () -> ()
      %run_scoped3A = arith.constant 0 : i32
      "tpu.region"() ({
        %run_scoped3A_20 = tpu.sem_alloc : memref<!tpu.dma_semaphore, #tpu.memory_space<semaphore_mem>>
        %dma_start3A_21 = arith.constant 0 : i32
        %dma_start3A_22 = tpu.memref_slice %arg8[%run_scoped3A, %dma_start3A_21] : memref<1x80xi32, #tpu.memory_space<vmem>> -> memref<1x80xi32, #tpu.memory_space<vmem>>
        %dma_start3A_23 = tpu.memref_squeeze %dma_start3A_22 : memref<1x80xi32, #tpu.memory_space<vmem>> -> memref<80xi32, #tpu.memory_space<vmem>>
        %dma_start3A_24 = tpu.memref_slice %arg4[%add3A_14] : memref<320000xi32, #tpu.memory_space<hbm>> -> memref<80xi32, #tpu.memory_space<hbm>>
        %dma_start3A_25 = arith.constant 0 : i32
        %dma_start3A_26 = tpu.memref_slice %arg8[%run_scoped3A, %dma_start3A_25] : memref<1x80xi32, #tpu.memory_space<vmem>> -> memref<1x80xi32, #tpu.memory_space<vmem>>
        %dma_start3A_27 = tpu.memref_squeeze %dma_start3A_26 : memref<1x80xi32, #tpu.memory_space<vmem>> -> memref<80xi32, #tpu.memory_space<vmem>>
        %dma_start3A_28 = tpu.memref_slice %arg4[%add3A_14] : memref<320000xi32, #tpu.memory_space<hbm>> -> memref<80xi32, #tpu.memory_space<hbm>>
        tpu.enqueue_dma source(%dma_start3A_28 : memref<80xi32, #tpu.memory_space<hbm>>) target(%dma_start3A_27 : memref<80xi32, #tpu.memory_space<vmem>>) target_semaphore(%run_scoped3A_20 : memref<!tpu.dma_semaphore, #tpu.memory_space<semaphore_mem>>)
        %dma_wait3A_29 = arith.constant 0 : i32
        %dma_wait3A_30 = tpu.memref_slice %arg8[%run_scoped3A, %dma_wait3A_29] : memref<1x80xi32, #tpu.memory_space<vmem>> -> memref<1x80xi32, #tpu.memory_space<vmem>>
        %dma_wait3A_31 = tpu.memref_squeeze %dma_wait3A_30 : memref<1x80xi32, #tpu.memory_space<vmem>> -> memref<80xi32, #tpu.memory_space<vmem>>
        %dma_wait3A_32 = tpu.memref_slice %arg4[%add3A_14] : memref<320000xi32, #tpu.memory_space<hbm>> -> memref<80xi32, #tpu.memory_space<hbm>>
        %dma_wait3A_33 = arith.constant 0 : i32
        %dma_wait3A_34 = tpu.memref_slice %arg8[%run_scoped3A, %dma_wait3A_33] : memref<1x80xi32, #tpu.memory_space<vmem>> -> memref<1x80xi32, #tpu.memory_space<vmem>>
        %dma_wait3A_35 = tpu.memref_squeeze %dma_wait3A_34 : memref<1x80xi32, #tpu.memory_space<vmem>> -> memref<80xi32, #tpu.memory_space<vmem>>
        %dma_wait3A_36 = tpu.memref_slice %arg4[%add3A_14] : memref<320000xi32, #tpu.memory_space<hbm>> -> memref<80xi32, #tpu.memory_space<hbm>>
        tpu.wait_dma2 semaphore(%run_scoped3A_20 : memref<!tpu.dma_semaphore, #tpu.memory_space<semaphore_mem>>) src(%dma_wait3A_36 : memref<80xi32, #tpu.memory_space<hbm>>) dst(%dma_wait3A_35 : memref<80xi32, #tpu.memory_space<vmem>>)
        tpu.yield
      }) : () -> ()
      %dma_start3A = arith.constant 0 : i32
      %dma_start3A_15 = arith.constant 0 : i32
      %dma_start3A_16 = tpu.memref_slice %arg2[%dma_start3A, %dma_start3A_15] : memref<10240x128xf32, #tpu.memory_space<hbm>> -> memref<10240x128xf32, #tpu.memory_space<hbm>>
      tpu.enqueue_indirect_dma source(%dma_start3A_16 : memref<10240x128xf32, #tpu.memory_space<hbm>>) target(%arg9 : memref<80x128xf32, #tpu.memory_space<vmem>>) offsets(%arg7 : memref<80xi32, #tpu.memory_space<vmem>>) semaphore(%arg11 : memref<!tpu.dma_semaphore, #tpu.memory_space<semaphore_mem>>)
      %dma_wait3A = arith.constant 0 : i32
      %dma_wait3A_17 = arith.constant 0 : i32
      %dma_wait3A_18 = tpu.memref_slice %arg2[%dma_wait3A, %dma_wait3A_17] : memref<10240x128xf32, #tpu.memory_space<hbm>> -> memref<10240x128xf32, #tpu.memory_space<hbm>>
      tpu.wait_indirect_dma semaphore(%arg11 : memref<!tpu.dma_semaphore, #tpu.memory_space<semaphore_mem>>) src(%dma_wait3A_18 : memref<10240x128xf32, #tpu.memory_space<hbm>>) dst(%arg9 : memref<80x128xf32, #tpu.memory_space<vmem>>)
      %run_scoped3A_19 = arith.constant 0 : i32
      "tpu.region"() ({
        %run_scoped3A_20 = tpu.sem_alloc : memref<!tpu.dma_semaphore, #tpu.memory_space<semaphore_mem>>
        %dma_start3A_21 = arith.constant 0 : i32
        %dma_start3A_22 = tpu.memref_slice %arg8[%run_scoped3A_19, %dma_start3A_21] : memref<1x80xi32, #tpu.memory_space<vmem>> -> memref<1x80xi32, #tpu.memory_space<vmem>>
        %dma_start3A_23 = tpu.memref_squeeze %dma_start3A_22 : memref<1x80xi32, #tpu.memory_space<vmem>> -> memref<80xi32, #tpu.memory_space<vmem>>
        %dma_start3A_24 = arith.constant 0 : i32
        %dma_start3A_25 = arith.constant 0 : i32
        %dma_start3A_26 = tpu.memref_slice %arg10[%dma_start3A_24, %dma_start3A_25] : memref<10240x128xf32, #tpu.memory_space<vmem_shared>> -> memref<10240x128xf32, #tpu.memory_space<vmem_shared>>
        tpu.enqueue_indirect_dma source(%arg9 : memref<80x128xf32, #tpu.memory_space<vmem>>) target(%dma_start3A_26 : memref<10240x128xf32, #tpu.memory_space<vmem_shared>>) offsets(%dma_start3A_23 : memref<80xi32, #tpu.memory_space<vmem>>) semaphore(%run_scoped3A_20 : memref<!tpu.dma_semaphore, #tpu.memory_space<semaphore_mem>>) {add = true}
        %dma_wait3A_27 = arith.constant 0 : i32
        %dma_wait3A_28 = tpu.memref_slice %arg8[%run_scoped3A_19, %dma_wait3A_27] : memref<1x80xi32, #tpu.memory_space<vmem>> -> memref<1x80xi32, #tpu.memory_space<vmem>>
        %dma_wait3A_29 = tpu.memref_squeeze %dma_wait3A_28 : memref<1x80xi32, #tpu.memory_space<vmem>> -> memref<80xi32, #tpu.memory_space<vmem>>
        %dma_wait3A_30 = arith.constant 0 : i32
        %dma_wait3A_31 = arith.constant 0 : i32
        %dma_wait3A_32 = tpu.memref_slice %arg10[%dma_wait3A_30, %dma_wait3A_31] : memref<10240x128xf32, #tpu.memory_space<vmem_shared>> -> memref<10240x128xf32, #tpu.memory_space<vmem_shared>>
        tpu.wait_indirect_dma semaphore(%run_scoped3A_20 : memref<!tpu.dma_semaphore, #tpu.memory_space<semaphore_mem>>) src(%arg9 : memref<80x128xf32, #tpu.memory_space<vmem>>) dst(%dma_wait3A_32 : memref<10240x128xf32, #tpu.memory_space<vmem_shared>>)
        tpu.yield
      }) : () -> ()
    }
    %scan3A_7 = arith.constant 125 : i32
    %barrier3A_8 = arith.constant 0 : index
    tpu.barrier barrier_id(%barrier3A_8)
    "tpu.region"() ({
      %run_scoped3A = tpu.sem_alloc : memref<!tpu.dma_semaphore, #tpu.memory_space<semaphore_mem>>
      %dma_start3A = arith.constant 0 : i32
      %dma_start3A_9 = tpu.memref_slice %arg6[%arg0, %mul3A_2, %dma_start3A] : memref<2x10240x128xf32, #tpu.memory_space<hbm>> -> memref<1x640x128xf32, #tpu.memory_space<hbm>>
      %dma_start3A_10 = tpu.memref_squeeze %dma_start3A_9 : memref<1x640x128xf32, #tpu.memory_space<hbm>> -> memref<640x128xf32, #tpu.memory_space<hbm>>
      %dma_start3A_11 = arith.constant 0 : i32
      %dma_start3A_12 = tpu.memref_slice %arg10[%mul3A_2, %dma_start3A_11] : memref<10240x128xf32, #tpu.memory_space<vmem_shared>> -> memref<640x128xf32, #tpu.memory_space<vmem_shared>>
      tpu.enqueue_dma source(%dma_start3A_12 : memref<640x128xf32, #tpu.memory_space<vmem_shared>>) target(%dma_start3A_10 : memref<640x128xf32, #tpu.memory_space<hbm>>) target_semaphore(%run_scoped3A : memref<!tpu.dma_semaphore, #tpu.memory_space<semaphore_mem>>)
      %dma_wait3A = arith.constant 0 : i32
      %dma_wait3A_13 = tpu.memref_slice %arg6[%arg0, %mul3A_2, %dma_wait3A] : memref<2x10240x128xf32, #tpu.memory_space<hbm>> -> memref<1x640x128xf32, #tpu.memory_space<hbm>>
      %dma_wait3A_14 = tpu.memref_squeeze %dma_wait3A_13 : memref<1x640x128xf32, #tpu.memory_space<hbm>> -> memref<640x128xf32, #tpu.memory_space<hbm>>
      %dma_wait3A_15 = arith.constant 0 : i32
      %dma_wait3A_16 = tpu.memref_slice %arg10[%mul3A_2, %dma_wait3A_15] : memref<10240x128xf32, #tpu.memory_space<vmem_shared>> -> memref<640x128xf32, #tpu.memory_space<vmem_shared>>
      tpu.wait_dma2 semaphore(%run_scoped3A : memref<!tpu.dma_semaphore, #tpu.memory_space<semaphore_mem>>) src(%dma_wait3A_16 : memref<640x128xf32, #tpu.memory_space<vmem_shared>>) dst(%dma_wait3A_14 : memref<640x128xf32, #tpu.memory_space<hbm>>)
      tpu.yield
    }) : () -> ()
    return
  }
}

#map = affine_map<(d0, d1) -> (0, 0)>
#map1 = affine_map<(d0, d1) -> (0)>
#map2 = affine_map<(d0, d1) -> (0, 0, 0)>
module attributes {stable_mosaic.version = 14 : i64} {
  func.func @_prop_sc_body(%arg0: i32, %arg1: i32, %arg2: memref<10240x128xf32, #tpu.memory_space<hbm>>, %arg3: memref<320000xi32, #tpu.memory_space<hbm>>, %arg4: memref<320000xi32, #tpu.memory_space<hbm>>, %arg5: memref<640x128xf32, #tpu.memory_space<hbm>>, %arg6: memref<2x10240x128xf32, #tpu.memory_space<hbm>>, %arg7: memref<80xi32, #tpu.memory_space<vmem>>, %arg8: memref<1x80xi32, #tpu.memory_space<vmem>>, %arg9: memref<80x128xf32, #tpu.memory_space<vmem>>, %arg10: memref<10240x128xf32, #tpu.memory_space<vmem_shared>>, %arg11: memref<!tpu.dma_semaphore, #tpu.memory_space<semaphore_mem>>) attributes {dimension_semantics = [#tpu.dimension_semantics<core_parallel>, #tpu.dimension_semantics<subcore_parallel>], iteration_bounds = array<i64: 2, 16>, scalar_prefetch = 0 : i64, scratch_operands = 5 : i64, tpu.core_type = #tpu.core_type<sc_vector_subcore>, window_params = [{transform_indices = #map}, {transform_indices = #map1}, {transform_indices = #map1}, {transform_indices = #map}, {transform_indices = #map2}]} {
    %mul3A = arith.constant 16 : i32
    %mul3A_0 = arith.muli %arg0, %mul3A : i32
    %add3A = arith.addi %mul3A_0, %arg1 : i32
    %mul3A_1 = arith.constant 640 : i32
    %mul3A_2 = arith.muli %arg1, %mul3A_1 : i32
    "tpu.region"() ({
      %run_scoped3A = tpu.sem_alloc : memref<!tpu.dma_semaphore, #tpu.memory_space<semaphore_mem>>
      %dma_start3A = arith.constant 0 : i32
      %dma_start3A_9 = tpu.memref_slice %arg10[%mul3A_2, %dma_start3A] : memref<10240x128xf32, #tpu.memory_space<vmem_shared>> -> memref<640x128xf32, #tpu.memory_space<vmem_shared>>
      tpu.enqueue_dma source(%arg5 : memref<640x128xf32, #tpu.memory_space<hbm>>) target(%dma_start3A_9 : memref<640x128xf32, #tpu.memory_space<vmem_shared>>) target_semaphore(%run_scoped3A : memref<!tpu.dma_semaphore, #tpu.memory_space<semaphore_mem>>)
      %dma_wait3A = arith.constant 0 : i32
      %dma_wait3A_10 = tpu.memref_slice %arg10[%mul3A_2, %dma_wait3A] : memref<10240x128xf32, #tpu.memory_space<vmem_shared>> -> memref<640x128xf32, #tpu.memory_space<vmem_shared>>
      tpu.wait_dma2 semaphore(%run_scoped3A : memref<!tpu.dma_semaphore, #tpu.memory_space<semaphore_mem>>) src(%arg5 : memref<640x128xf32, #tpu.memory_space<hbm>>) dst(%dma_wait3A_10 : memref<640x128xf32, #tpu.memory_space<vmem_shared>>)
      tpu.yield
    }) : () -> ()
    %barrier3A = arith.constant 0 : index
    tpu.barrier barrier_id(%barrier3A)
    %scan3A = arith.constant 0 : i32
    %scan3A_3 = arith.constant 0 : i32
    %scan3A_4 = arith.constant 125 : i32
    %scan3A_5 = arith.addi %scan3A_3, %scan3A_4 : i32
    %scan3A_6 = arith.constant 1 : i32
    scf.for %scan3A_9 = %scan3A_3 to %scan3A_5 step %scan3A_6  : i32 {
      %mul3A_10 = arith.constant 10000 : i32
      %mul3A_11 = arith.muli %add3A, %mul3A_10 : i32
      %mul3A_12 = arith.constant 80 : i32
      %mul3A_13 = arith.muli %scan3A_9, %mul3A_12 : i32
      %add3A_14 = arith.addi %mul3A_11, %mul3A_13 : i32
      "tpu.region"() ({
        %run_scoped3A_20 = tpu.sem_alloc : memref<!tpu.dma_semaphore, #tpu.memory_space<semaphore_mem>>
        %dma_start3A_21 = tpu.memref_slice %arg3[%add3A_14] : memref<320000xi32, #tpu.memory_space<hbm>> -> memref<80xi32, #tpu.memory_space<hbm>>
        %dma_start3A_22 = tpu.memref_slice %arg3[%add3A_14] : memref<320000xi32, #tpu.memory_space<hbm>> -> memref<80xi32, #tpu.memory_space<hbm>>
        tpu.enqueue_dma source(%dma_start3A_22 : memref<80xi32, #tpu.memory_space<hbm>>) target(%arg7 : memref<80xi32, #tpu.memory_space<vmem>>) target_semaphore(%run_scoped3A_20 : memref<!tpu.dma_semaphore, #tpu.memory_space<semaphore_mem>>)
        %dma_wait3A_23 = tpu.memref_slice %arg3[%add3A_14] : memref<320000xi32, #tpu.memory_space<hbm>> -> memref<80xi32, #tpu.memory_space<hbm>>
        %dma_wait3A_24 = tpu.memref_slice %arg3[%add3A_14] : memref<320000xi32, #tpu.memory_space<hbm>> -> memref<80xi32, #tpu.memory_space<hbm>>
        tpu.wait_dma2 semaphore(%run_scoped3A_20 : memref<!tpu.dma_semaphore, #tpu.memory_space<semaphore_mem>>) src(%dma_wait3A_24 : memref<80xi32, #tpu.memory_space<hbm>>) dst(%arg7 : memref<80xi32, #tpu.memory_space<vmem>>)
        tpu.yield
      }) : () -> ()
      %run_scoped3A = arith.constant 0 : i32
      "tpu.region"() ({
        %run_scoped3A_20 = tpu.sem_alloc : memref<!tpu.dma_semaphore, #tpu.memory_space<semaphore_mem>>
        %dma_start3A_21 = arith.constant 0 : i32
        %dma_start3A_22 = tpu.memref_slice %arg8[%run_scoped3A, %dma_start3A_21] : memref<1x80xi32, #tpu.memory_space<vmem>> -> memref<1x80xi32, #tpu.memory_space<vmem>>
        %dma_start3A_23 = tpu.memref_squeeze %dma_start3A_22 : memref<1x80xi32, #tpu.memory_space<vmem>> -> memref<80xi32, #tpu.memory_space<vmem>>
        %dma_start3A_24 = tpu.memref_slice %arg4[%add3A_14] : memref<320000xi32, #tpu.memory_space<hbm>> -> memref<80xi32, #tpu.memory_space<hbm>>
        %dma_start3A_25 = arith.constant 0 : i32
        %dma_start3A_26 = tpu.memref_slice %arg8[%run_scoped3A, %dma_start3A_25] : memref<1x80xi32, #tpu.memory_space<vmem>> -> memref<1x80xi32, #tpu.memory_space<vmem>>
        %dma_start3A_27 = tpu.memref_squeeze %dma_start3A_26 : memref<1x80xi32, #tpu.memory_space<vmem>> -> memref<80xi32, #tpu.memory_space<vmem>>
        %dma_start3A_28 = tpu.memref_slice %arg4[%add3A_14] : memref<320000xi32, #tpu.memory_space<hbm>> -> memref<80xi32, #tpu.memory_space<hbm>>
        tpu.enqueue_dma source(%dma_start3A_28 : memref<80xi32, #tpu.memory_space<hbm>>) target(%dma_start3A_27 : memref<80xi32, #tpu.memory_space<vmem>>) target_semaphore(%run_scoped3A_20 : memref<!tpu.dma_semaphore, #tpu.memory_space<semaphore_mem>>)
        %dma_wait3A_29 = arith.constant 0 : i32
        %dma_wait3A_30 = tpu.memref_slice %arg8[%run_scoped3A, %dma_wait3A_29] : memref<1x80xi32, #tpu.memory_space<vmem>> -> memref<1x80xi32, #tpu.memory_space<vmem>>
        %dma_wait3A_31 = tpu.memref_squeeze %dma_wait3A_30 : memref<1x80xi32, #tpu.memory_space<vmem>> -> memref<80xi32, #tpu.memory_space<vmem>>
        %dma_wait3A_32 = tpu.memref_slice %arg4[%add3A_14] : memref<320000xi32, #tpu.memory_space<hbm>> -> memref<80xi32, #tpu.memory_space<hbm>>
        %dma_wait3A_33 = arith.constant 0 : i32
        %dma_wait3A_34 = tpu.memref_slice %arg8[%run_scoped3A, %dma_wait3A_33] : memref<1x80xi32, #tpu.memory_space<vmem>> -> memref<1x80xi32, #tpu.memory_space<vmem>>
        %dma_wait3A_35 = tpu.memref_squeeze %dma_wait3A_34 : memref<1x80xi32, #tpu.memory_space<vmem>> -> memref<80xi32, #tpu.memory_space<vmem>>
        %dma_wait3A_36 = tpu.memref_slice %arg4[%add3A_14] : memref<320000xi32, #tpu.memory_space<hbm>> -> memref<80xi32, #tpu.memory_space<hbm>>
        tpu.wait_dma2 semaphore(%run_scoped3A_20 : memref<!tpu.dma_semaphore, #tpu.memory_space<semaphore_mem>>) src(%dma_wait3A_36 : memref<80xi32, #tpu.memory_space<hbm>>) dst(%dma_wait3A_35 : memref<80xi32, #tpu.memory_space<vmem>>)
        tpu.yield
      }) : () -> ()
      %dma_start3A = arith.constant 0 : i32
      %dma_start3A_15 = arith.constant 0 : i32
      %dma_start3A_16 = tpu.memref_slice %arg2[%dma_start3A, %dma_start3A_15] : memref<10240x128xf32, #tpu.memory_space<hbm>> -> memref<10240x128xf32, #tpu.memory_space<hbm>>
      tpu.enqueue_indirect_dma source(%dma_start3A_16 : memref<10240x128xf32, #tpu.memory_space<hbm>>) target(%arg9 : memref<80x128xf32, #tpu.memory_space<vmem>>) offsets(%arg7 : memref<80xi32, #tpu.memory_space<vmem>>) semaphore(%arg11 : memref<!tpu.dma_semaphore, #tpu.memory_space<semaphore_mem>>)
      %dma_wait3A = arith.constant 0 : i32
      %dma_wait3A_17 = arith.constant 0 : i32
      %dma_wait3A_18 = tpu.memref_slice %arg2[%dma_wait3A, %dma_wait3A_17] : memref<10240x128xf32, #tpu.memory_space<hbm>> -> memref<10240x128xf32, #tpu.memory_space<hbm>>
      tpu.wait_indirect_dma semaphore(%arg11 : memref<!tpu.dma_semaphore, #tpu.memory_space<semaphore_mem>>) src(%dma_wait3A_18 : memref<10240x128xf32, #tpu.memory_space<hbm>>) dst(%arg9 : memref<80x128xf32, #tpu.memory_space<vmem>>)
      %run_scoped3A_19 = arith.constant 0 : i32
      "tpu.region"() ({
        %run_scoped3A_20 = tpu.sem_alloc : memref<!tpu.dma_semaphore, #tpu.memory_space<semaphore_mem>>
        %dma_start3A_21 = arith.constant 0 : i32
        %dma_start3A_22 = tpu.memref_slice %arg8[%run_scoped3A_19, %dma_start3A_21] : memref<1x80xi32, #tpu.memory_space<vmem>> -> memref<1x80xi32, #tpu.memory_space<vmem>>
        %dma_start3A_23 = tpu.memref_squeeze %dma_start3A_22 : memref<1x80xi32, #tpu.memory_space<vmem>> -> memref<80xi32, #tpu.memory_space<vmem>>
        %dma_start3A_24 = arith.constant 0 : i32
        %dma_start3A_25 = arith.constant 0 : i32
        %dma_start3A_26 = tpu.memref_slice %arg10[%dma_start3A_24, %dma_start3A_25] : memref<10240x128xf32, #tpu.memory_space<vmem_shared>> -> memref<10240x128xf32, #tpu.memory_space<vmem_shared>>
        tpu.enqueue_indirect_dma source(%arg9 : memref<80x128xf32, #tpu.memory_space<vmem>>) target(%dma_start3A_26 : memref<10240x128xf32, #tpu.memory_space<vmem_shared>>) offsets(%dma_start3A_23 : memref<80xi32, #tpu.memory_space<vmem>>) semaphore(%run_scoped3A_20 : memref<!tpu.dma_semaphore, #tpu.memory_space<semaphore_mem>>) {add = true}
        %dma_wait3A_27 = arith.constant 0 : i32
        %dma_wait3A_28 = tpu.memref_slice %arg8[%run_scoped3A_19, %dma_wait3A_27] : memref<1x80xi32, #tpu.memory_space<vmem>> -> memref<1x80xi32, #tpu.memory_space<vmem>>
        %dma_wait3A_29 = tpu.memref_squeeze %dma_wait3A_28 : memref<1x80xi32, #tpu.memory_space<vmem>> -> memref<80xi32, #tpu.memory_space<vmem>>
        %dma_wait3A_30 = arith.constant 0 : i32
        %dma_wait3A_31 = arith.constant 0 : i32
        %dma_wait3A_32 = tpu.memref_slice %arg10[%dma_wait3A_30, %dma_wait3A_31] : memref<10240x128xf32, #tpu.memory_space<vmem_shared>> -> memref<10240x128xf32, #tpu.memory_space<vmem_shared>>
        tpu.wait_indirect_dma semaphore(%run_scoped3A_20 : memref<!tpu.dma_semaphore, #tpu.memory_space<semaphore_mem>>) src(%arg9 : memref<80x128xf32, #tpu.memory_space<vmem>>) dst(%dma_wait3A_32 : memref<10240x128xf32, #tpu.memory_space<vmem_shared>>)
        tpu.yield
      }) : () -> ()
    }
    %scan3A_7 = arith.constant 125 : i32
    %barrier3A_8 = arith.constant 0 : index
    tpu.barrier barrier_id(%barrier3A_8)
    "tpu.region"() ({
      %run_scoped3A = tpu.sem_alloc : memref<!tpu.dma_semaphore, #tpu.memory_space<semaphore_mem>>
      %dma_start3A = arith.constant 0 : i32
      %dma_start3A_9 = tpu.memref_slice %arg6[%arg0, %mul3A_2, %dma_start3A] : memref<2x10240x128xf32, #tpu.memory_space<hbm>> -> memref<1x640x128xf32, #tpu.memory_space<hbm>>
      %dma_start3A_10 = tpu.memref_squeeze %dma_start3A_9 : memref<1x640x128xf32, #tpu.memory_space<hbm>> -> memref<640x128xf32, #tpu.memory_space<hbm>>
      %dma_start3A_11 = arith.constant 0 : i32
      %dma_start3A_12 = tpu.memref_slice %arg10[%mul3A_2, %dma_start3A_11] : memref<10240x128xf32, #tpu.memory_space<vmem_shared>> -> memref<640x128xf32, #tpu.memory_space<vmem_shared>>
      tpu.enqueue_dma source(%dma_start3A_12 : memref<640x128xf32, #tpu.memory_space<vmem_shared>>) target(%dma_start3A_10 : memref<640x128xf32, #tpu.memory_space<hbm>>) target_semaphore(%run_scoped3A : memref<!tpu.dma_semaphore, #tpu.memory_space<semaphore_mem>>)
      %dma_wait3A = arith.constant 0 : i32
      %dma_wait3A_13 = tpu.memref_slice %arg6[%arg0, %mul3A_2, %dma_wait3A] : memref<2x10240x128xf32, #tpu.memory_space<hbm>> -> memref<1x640x128xf32, #tpu.memory_space<hbm>>
      %dma_wait3A_14 = tpu.memref_squeeze %dma_wait3A_13 : memref<1x640x128xf32, #tpu.memory_space<hbm>> -> memref<640x128xf32, #tpu.memory_space<hbm>>
      %dma_wait3A_15 = arith.constant 0 : i32
      %dma_wait3A_16 = tpu.memref_slice %arg10[%mul3A_2, %dma_wait3A_15] : memref<10240x128xf32, #tpu.memory_space<vmem_shared>> -> memref<640x128xf32, #tpu.memory_space<vmem_shared>>
      tpu.wait_dma2 semaphore(%run_scoped3A : memref<!tpu.dma_semaphore, #tpu.memory_space<semaphore_mem>>) src(%dma_wait3A_16 : memref<640x128xf32, #tpu.memory_space<vmem_shared>>) dst(%dma_wait3A_14 : memref<640x128xf32, #tpu.memory_space<hbm>>)
      tpu.yield
    }) : () -> ()
    return
  }
}

module attributes {stable_mosaic.version = 14 : i64} {
  func.func @_mm1_body(%arg0: i32, %arg1: memref<2048x128xf32, #tpu.memory_space<vmem>>, %arg2: memref<128x128xf32, #tpu.memory_space<vmem>>, %arg3: memref<2048x16xf32, #tpu.memory_space<vmem>>, %arg4: memref<2048x16xf32, #tpu.memory_space<vmem>>, %arg5: memref<2048x128xf32, #tpu.memory_space<vmem>>, %arg6: memref<2048x1xf32, #tpu.memory_space<vmem>>) attributes {dimension_semantics = [#tpu.dimension_semantics<arbitrary>], iteration_bounds = array<i64: 5>, scalar_prefetch = 0 : i64, scratch_operands = 0 : i64, tpu.core_type = #tpu.core_type<tc>, window_params = [{transform_indices = @transform_0, window_bounds = array<i64: 2048, 128>}, {pipeline_mode = #tpu.pipeline_mode<synchronous>, transform_indices = @transform_1, window_bounds = array<i64: 128, 128>}, {transform_indices = @transform_2, window_bounds = array<i64: 2048, 16>}, {transform_indices = @transform_3, window_bounds = array<i64: 2048, 16>}, {transform_indices = @transform_4, window_bounds = array<i64: 2048, 128>}, {transform_indices = @transform_5, window_bounds = array<i64: 2048, 1>}]} {
    %get3A = arith.constant 0 : index
    %get3A_0 = arith.constant 0 : index
    %get3A_1 = vector.load %arg3[%get3A, %get3A_0] : memref<2048x16xf32, #tpu.memory_space<vmem>>, vector<2048x1xf32>
    %get3A_2 = arith.constant 0 : index
    %get3A_3 = arith.constant 0 : index
    %get3A_4 = vector.load %arg4[%get3A_2, %get3A_3] : memref<2048x16xf32, #tpu.memory_space<vmem>>, vector<2048x1xf32>
    %add3A = arith.addf %get3A_1, %get3A_4 : vector<2048x1xf32>
    %add3A_5 = arith.constant 1.000000e+00 : f32
    %add3A_6 = vector.broadcast %add3A_5 : f32 to vector<2048x1xf32>
    %add3A_7 = arith.addf %add3A, %add3A_6 : vector<2048x1xf32>
    %rsqrt3A = math.rsqrt %add3A_7 : vector<2048x1xf32>
    %get3A_8 = arith.constant 0 : index
    %get3A_9 = arith.constant 0 : index
    %get3A_10 = vector.load %arg1[%get3A_8, %get3A_9] : memref<2048x128xf32, #tpu.memory_space<vmem>>, vector<2048x128xf32>
    %get3A_11 = arith.constant 0 : index
    %get3A_12 = arith.constant 0 : index
    %get3A_13 = vector.load %arg2[%get3A_11, %get3A_12] : memref<128x128xf32, #tpu.memory_space<vmem>>, vector<128x128xf32>
    %dot_general3A = arith.constant dense<0.000000e+00> : vector<2048x128xf32>
    %dot_general3A_14 = tpu.matmul %get3A_10, %get3A_13, %dot_general3A {dimension_numbers = #tpu.dot_dimension_numbers<[1], [0], [0], [1], [0, 0, 1, 1], [], []>, transpose_lhs_hint = false} : vector<2048x128xf32>, vector<128x128xf32>, vector<2048x128xf32> -> vector<2048x128xf32>
    %mul3A = vector.broadcast %rsqrt3A : vector<2048x1xf32> to vector<2048x128xf32>
    %mul3A_15 = arith.mulf %dot_general3A_14, %mul3A : vector<2048x128xf32>
    %swap3A = arith.constant 0 : index
    %swap3A_16 = arith.constant 0 : index
    %swap3A_17 = vector.load %arg5[%swap3A, %swap3A_16] : memref<2048x128xf32, #tpu.memory_space<vmem>>, vector<2048x128xf32>
    tpu.vector_store %arg5[%swap3A, %swap3A_16], %mul3A_15 {strides = array<i32>} : memref<2048x128xf32, #tpu.memory_space<vmem>>, vector<2048x128xf32>,
    %swap3A_18 = arith.constant 0 : index
    %swap3A_19 = arith.constant 0 : index
    %swap3A_20 = vector.load %arg6[%swap3A_18, %swap3A_19] : memref<2048x1xf32, #tpu.memory_space<vmem>>, vector<2048x1xf32>
    tpu.vector_store %arg6[%swap3A_18, %swap3A_19], %rsqrt3A {strides = array<i32>} : memref<2048x1xf32, #tpu.memory_space<vmem>>, vector<2048x1xf32>,
    return
  }
  func.func @transform_0(%arg0: i32) -> (i32, i32) {
    %c0_i32 = arith.constant 0 : i32
    %c0_i32_0 = arith.constant 0 : i32
    return %arg0, %c0_i32 : i32, i32
  }
  func.func @transform_1(%arg0: i32) -> (i32, i32) {
    %c0_i32 = arith.constant 0 : i32
    %c0_i32_0 = arith.constant 0 : i32
    %c0_i32_1 = arith.constant 0 : i32
    return %c0_i32, %c0_i32_0 : i32, i32
  }
  func.func @transform_2(%arg0: i32) -> (i32, i32) {
    %c0_i32 = arith.constant 0 : i32
    %c0_i32_0 = arith.constant 0 : i32
    return %arg0, %c0_i32 : i32, i32
  }
  func.func @transform_3(%arg0: i32) -> (i32, i32) {
    %c0_i32 = arith.constant 0 : i32
    %c0_i32_0 = arith.constant 0 : i32
    return %arg0, %c0_i32 : i32, i32
  }
  func.func @transform_4(%arg0: i32) -> (i32, i32) {
    %c0_i32 = arith.constant 0 : i32
    %c0_i32_0 = arith.constant 0 : i32
    return %arg0, %c0_i32 : i32, i32
  }
  func.func @transform_5(%arg0: i32) -> (i32, i32) {
    %c0_i32 = arith.constant 0 : i32
    %c0_i32_0 = arith.constant 0 : i32
    return %arg0, %c0_i32 : i32, i32
  }
}

module attributes {stable_mosaic.version = 14 : i64} {
  func.func @_combine_body(%arg0: i32, %arg1: memref<2048x128xf32, #tpu.memory_space<vmem>>, %arg2: memref<2048x128xf32, #tpu.memory_space<vmem>>, %arg3: memref<2048x128xf32, #tpu.memory_space<vmem>>, %arg4: memref<2048x1xf32, #tpu.memory_space<vmem>>, %arg5: memref<1x128xf32, #tpu.memory_space<vmem>>, %arg6: memref<128x128xf32, #tpu.memory_space<vmem>>, %arg7: memref<2048x128xf32, #tpu.memory_space<vmem>>) attributes {dimension_semantics = [#tpu.dimension_semantics<arbitrary>], iteration_bounds = array<i64: 5>, scalar_prefetch = 0 : i64, scratch_operands = 0 : i64, tpu.core_type = #tpu.core_type<tc>, window_params = [{transform_indices = @transform_0, window_bounds = array<i64: 2048, 128>}, {transform_indices = @transform_1, window_bounds = array<i64: 2048, 128>}, {transform_indices = @transform_2, window_bounds = array<i64: 2048, 128>}, {transform_indices = @transform_3, window_bounds = array<i64: 2048, 1>}, {pipeline_mode = #tpu.pipeline_mode<synchronous>, transform_indices = @transform_4, window_bounds = array<i64: 1, 128>}, {pipeline_mode = #tpu.pipeline_mode<synchronous>, transform_indices = @transform_5, window_bounds = array<i64: 128, 128>}, {transform_indices = @transform_6, window_bounds = array<i64: 2048, 128>}]} {
    %get3A = arith.constant 0 : index
    %get3A_0 = arith.constant 0 : index
    %get3A_1 = vector.load %arg4[%get3A, %get3A_0] : memref<2048x1xf32, #tpu.memory_space<vmem>>, vector<2048x1xf32>
    %get3A_2 = arith.constant 0 : index
    %get3A_3 = arith.constant 0 : index
    %get3A_4 = vector.load %arg1[%get3A_2, %get3A_3] : memref<2048x128xf32, #tpu.memory_space<vmem>>, vector<2048x128xf32>
    %get3A_5 = arith.constant 0 : index
    %get3A_6 = arith.constant 0 : index
    %get3A_7 = vector.load %arg2[%get3A_5, %get3A_6] : memref<2048x128xf32, #tpu.memory_space<vmem>>, vector<2048x128xf32>
    %add3A = arith.addf %get3A_4, %get3A_7 : vector<2048x128xf32>
    %get3A_8 = arith.constant 0 : index
    %get3A_9 = arith.constant 0 : index
    %get3A_10 = vector.load %arg3[%get3A_8, %get3A_9] : memref<2048x128xf32, #tpu.memory_space<vmem>>, vector<2048x128xf32>
    %add3A_11 = arith.addf %add3A, %get3A_10 : vector<2048x128xf32>
    %mul3A = vector.broadcast %get3A_1 : vector<2048x1xf32> to vector<2048x128xf32>
    %mul3A_12 = arith.mulf %mul3A, %add3A_11 : vector<2048x128xf32>
    %get3A_13 = arith.constant 0 : index
    %get3A_14 = arith.constant 0 : index
    %get3A_15 = vector.load %arg5[%get3A_13, %get3A_14] : memref<1x128xf32, #tpu.memory_space<vmem>>, vector<1x128xf32>
    %add3A_16 = vector.broadcast %get3A_15 : vector<1x128xf32> to vector<2048x128xf32>
    %add3A_17 = arith.addf %mul3A_12, %add3A_16 : vector<2048x128xf32>
    %max3A = arith.constant 0.000000e+00 : f32
    %max3A_18 = vector.broadcast %max3A : f32 to vector<2048x128xf32>
    %max3A_19 = arith.maximumf %add3A_17, %max3A_18 : vector<2048x128xf32>
    %get3A_20 = arith.constant 0 : index
    %get3A_21 = arith.constant 0 : index
    %get3A_22 = vector.load %arg6[%get3A_20, %get3A_21] : memref<128x128xf32, #tpu.memory_space<vmem>>, vector<128x128xf32>
    %dot_general3A = arith.constant dense<0.000000e+00> : vector<2048x128xf32>
    %dot_general3A_23 = tpu.matmul %max3A_19, %get3A_22, %dot_general3A {dimension_numbers = #tpu.dot_dimension_numbers<[1], [0], [0], [1], [0, 0, 1, 1], [], []>, transpose_lhs_hint = false} : vector<2048x128xf32>, vector<128x128xf32>, vector<2048x128xf32> -> vector<2048x128xf32>
    %mul3A_24 = vector.broadcast %get3A_1 : vector<2048x1xf32> to vector<2048x128xf32>
    %mul3A_25 = arith.mulf %mul3A_24, %dot_general3A_23 : vector<2048x128xf32>
    %swap3A = arith.constant 0 : index
    %swap3A_26 = arith.constant 0 : index
    %swap3A_27 = vector.load %arg7[%swap3A, %swap3A_26] : memref<2048x128xf32, #tpu.memory_space<vmem>>, vector<2048x128xf32>
    tpu.vector_store %arg7[%swap3A, %swap3A_26], %mul3A_25 {strides = array<i32>} : memref<2048x128xf32, #tpu.memory_space<vmem>>, vector<2048x128xf32>,
    return
  }
  func.func @transform_0(%arg0: i32) -> (i32, i32) {
    %c0_i32 = arith.constant 0 : i32
    %c0_i32_0 = arith.constant 0 : i32
    return %arg0, %c0_i32 : i32, i32
  }
  func.func @transform_1(%arg0: i32) -> (i32, i32) {
    %c0_i32 = arith.constant 0 : i32
    %c0_i32_0 = arith.constant 0 : i32
    return %arg0, %c0_i32 : i32, i32
  }
  func.func @transform_2(%arg0: i32) -> (i32, i32) {
    %c0_i32 = arith.constant 0 : i32
    %c0_i32_0 = arith.constant 0 : i32
    return %arg0, %c0_i32 : i32, i32
  }
  func.func @transform_3(%arg0: i32) -> (i32, i32) {
    %c0_i32 = arith.constant 0 : i32
    %c0_i32_0 = arith.constant 0 : i32
    return %arg0, %c0_i32 : i32, i32
  }
  func.func @transform_4(%arg0: i32) -> (i32, i32) {
    %c0_i32 = arith.constant 0 : i32
    %c0_i32_0 = arith.constant 0 : i32
    %c0_i32_1 = arith.constant 0 : i32
    return %c0_i32, %c0_i32_0 : i32, i32
  }
  func.func @transform_5(%arg0: i32) -> (i32, i32) {
    %c0_i32 = arith.constant 0 : i32
    %c0_i32_0 = arith.constant 0 : i32
    %c0_i32_1 = arith.constant 0 : i32
    return %c0_i32, %c0_i32_0 : i32, i32
  }
  func.func @transform_6(%arg0: i32) -> (i32, i32) {
    %c0_i32 = arith.constant 0 : i32
    %c0_i32_0 = arith.constant 0 : i32
    return %arg0, %c0_i32 : i32, i32
  }
}

module attributes {stable_mosaic.version = 14 : i64} {
  func.func @_final_body(%arg0: i32, %arg1: memref<2048x128xf32, #tpu.memory_space<vmem>>, %arg2: memref<2048x128xf32, #tpu.memory_space<vmem>>, %arg3: memref<2048x128xf32, #tpu.memory_space<vmem>>, %arg4: memref<2048x1xf32, #tpu.memory_space<vmem>>, %arg5: memref<1x128xf32, #tpu.memory_space<vmem>>, %arg6: memref<1x1x2048xi32, #tpu.memory_space<vmem>>, %arg7: memref<128x128xf32, #tpu.memory_space<vmem>>, %arg8: memref<1x128xf32, #tpu.memory_space<vmem>>, %arg9: memref<128x128xf32, #tpu.memory_space<vmem>>, %arg10: memref<1x128xf32, #tpu.memory_space<vmem>>, %arg11: memref<128x1xf32, #tpu.memory_space<vmem>>, %arg12: memref<1x1xf32, #tpu.memory_space<vmem>>, %arg13: memref<64x1xf32, #tpu.memory_space<vmem>>, %arg14: memref<64x128xf32, #tpu.memory_space<vmem>>, %arg15: memref<64x1xf32, #tpu.memory_space<vmem>>) attributes {dimension_semantics = [#tpu.dimension_semantics<arbitrary>], iteration_bounds = array<i64: 5>, scalar_prefetch = 0 : i64, scratch_operands = 2 : i64, tpu.core_type = #tpu.core_type<tc>, window_params = [{transform_indices = @transform_0, window_bounds = array<i64: 2048, 128>}, {transform_indices = @transform_1, window_bounds = array<i64: 2048, 128>}, {transform_indices = @transform_2, window_bounds = array<i64: 2048, 128>}, {transform_indices = @transform_3, window_bounds = array<i64: 2048, 1>}, {pipeline_mode = #tpu.pipeline_mode<synchronous>, transform_indices = @transform_4, window_bounds = array<i64: 1, 128>}, {transform_indices = @transform_5, window_bounds = array<i64: 1, 1, 2048>}, {pipeline_mode = #tpu.pipeline_mode<synchronous>, transform_indices = @transform_6, window_bounds = array<i64: 128, 128>}, {pipeline_mode = #tpu.pipeline_mode<synchronous>, transform_indices = @transform_7, window_bounds = array<i64: 1, 128>}, {pipeline_mode = #tpu.pipeline_mode<synchronous>, transform_indices = @transform_8, window_bounds = array<i64: 128, 128>}, {pipeline_mode = #tpu.pipeline_mode<synchronous>, transform_indices = @transform_9, window_bounds = array<i64: 1, 128>}, {pipeline_mode = #tpu.pipeline_mode<synchronous>, transform_indices = @transform_10, window_bounds = array<i64: 128, 1>}, {pipeline_mode = #tpu.pipeline_mode<synchronous>, transform_indices = @transform_11, window_bounds = array<i64: 1, 1>}, {pipeline_mode = #tpu.pipeline_mode<synchronous>, transform_indices = @transform_12, window_bounds = array<i64: 64, 1>}]} {
    %eq3A = arith.constant 0 : i32
    %eq3A_0 = arith.cmpi eq, %arg0, %eq3A : i32
    %convert_element_type3A = arith.extui %eq3A_0 : i1 to i32
    %cond3A = arith.constant 0 : i32
    %cond3A_1 = arith.cmpi ne, %convert_element_type3A, %cond3A : i32
    scf.if %cond3A_1 {
      %broadcast_in_dim3A_50 = arith.constant 0.000000e+00 : f32
      %broadcast_in_dim3A_51 = vector.broadcast %broadcast_in_dim3A_50 : f32 to vector<64x128xf32>
      %swap3A_52 = arith.constant 0 : index
      %swap3A_53 = arith.constant 0 : index
      %swap3A_54 = vector.load %arg14[%swap3A_52, %swap3A_53] : memref<64x128xf32, #tpu.memory_space<vmem>>, vector<64x128xf32>
      tpu.vector_store %arg14[%swap3A_52, %swap3A_53], %broadcast_in_dim3A_51 {strides = array<i32>} : memref<64x128xf32, #tpu.memory_space<vmem>>, vector<64x128xf32>,
      %broadcast_in_dim3A_55 = arith.constant 0.000000e+00 : f32
      %broadcast_in_dim3A_56 = vector.broadcast %broadcast_in_dim3A_55 : f32 to vector<64x1xf32>
      %swap3A_57 = arith.constant 0 : index
      %swap3A_58 = arith.constant 0 : index
      %swap3A_59 = vector.load %arg15[%swap3A_57, %swap3A_58] : memref<64x1xf32, #tpu.memory_space<vmem>>, vector<64x1xf32>
      tpu.vector_store %arg15[%swap3A_57, %swap3A_58], %broadcast_in_dim3A_56 {strides = array<i32>} : memref<64x1xf32, #tpu.memory_space<vmem>>, vector<64x1xf32>,
    } else {
    }
    %get3A = arith.constant 0 : index
    %get3A_2 = arith.constant 0 : index
    %get3A_3 = vector.load %arg4[%get3A, %get3A_2] : memref<2048x1xf32, #tpu.memory_space<vmem>>, vector<2048x1xf32>
    %get3A_4 = arith.constant 0 : index
    %get3A_5 = arith.constant 0 : index
    %get3A_6 = vector.load %arg1[%get3A_4, %get3A_5] : memref<2048x128xf32, #tpu.memory_space<vmem>>, vector<2048x128xf32>
    %get3A_7 = arith.constant 0 : index
    %get3A_8 = arith.constant 0 : index
    %get3A_9 = vector.load %arg2[%get3A_7, %get3A_8] : memref<2048x128xf32, #tpu.memory_space<vmem>>, vector<2048x128xf32>
    %add3A = arith.addf %get3A_6, %get3A_9 : vector<2048x128xf32>
    %get3A_10 = arith.constant 0 : index
    %get3A_11 = arith.constant 0 : index
    %get3A_12 = vector.load %arg3[%get3A_10, %get3A_11] : memref<2048x128xf32, #tpu.memory_space<vmem>>, vector<2048x128xf32>
    %add3A_13 = arith.addf %add3A, %get3A_12 : vector<2048x128xf32>
    %mul3A = vector.broadcast %get3A_3 : vector<2048x1xf32> to vector<2048x128xf32>
    %mul3A_14 = arith.mulf %mul3A, %add3A_13 : vector<2048x128xf32>
    %get3A_15 = arith.constant 0 : index
    %get3A_16 = arith.constant 0 : index
    %get3A_17 = vector.load %arg5[%get3A_15, %get3A_16] : memref<1x128xf32, #tpu.memory_space<vmem>>, vector<1x128xf32>
    %add3A_18 = vector.broadcast %get3A_17 : vector<1x128xf32> to vector<2048x128xf32>
    %add3A_19 = arith.addf %mul3A_14, %add3A_18 : vector<2048x128xf32>
    %get3A_20 = arith.constant 0 : index
    %get3A_21 = arith.constant 0 : index
    %get3A_22 = arith.constant 0 : index
    %get3A_23 = vector.load %arg6[%get3A_20, %get3A_21, %get3A_22] : memref<1x1x2048xi32, #tpu.memory_space<vmem>>, vector<1x1x2048xi32>
    %get3A_24 = vector.shape_cast %get3A_23 : vector<1x1x2048xi32> to vector<2048xi32>
    %broadcast_in_dim3A = vector.shape_cast %get3A_24 : vector<2048xi32> to vector<1x2048xi32>
    %iota3A = tpu.iota {dimensions = array<i32: 0>} : vector<64x2048xi32>
    %eq3A_25 = vector.broadcast %broadcast_in_dim3A : vector<1x2048xi32> to vector<64x2048xi32>
    %eq3A_26 = arith.cmpi eq, %eq3A_25, %iota3A : vector<64x2048xi32>
    %convert_element_type3A_27 = arith.extui %eq3A_26 : vector<64x2048xi1> to vector<64x2048xi32>
    %convert_element_type3A_28 = arith.sitofp %convert_element_type3A_27 : vector<64x2048xi32> to vector<64x2048xf32>
    %get3A_29 = arith.constant 0 : index
    %get3A_30 = arith.constant 0 : index
    %get3A_31 = vector.load %arg14[%get3A_29, %get3A_30] : memref<64x128xf32, #tpu.memory_space<vmem>>, vector<64x128xf32>
    %dot_general3A = arith.constant dense<0.000000e+00> : vector<64x128xf32>
    %dot_general3A_32 = tpu.matmul %convert_element_type3A_28, %add3A_19, %dot_general3A {dimension_numbers = #tpu.dot_dimension_numbers<[1], [0], [0], [1], [0, 0, 1, 1], [], []>, transpose_lhs_hint = false} : vector<64x2048xf32>, vector<2048x128xf32>, vector<64x128xf32> -> vector<64x128xf32>
    %add3A_33 = arith.addf %get3A_31, %dot_general3A_32 : vector<64x128xf32>
    %swap3A = arith.constant 0 : index
    %swap3A_34 = arith.constant 0 : index
    %swap3A_35 = vector.load %arg14[%swap3A, %swap3A_34] : memref<64x128xf32, #tpu.memory_space<vmem>>, vector<64x128xf32>
    tpu.vector_store %arg14[%swap3A, %swap3A_34], %add3A_33 {strides = array<i32>} : memref<64x128xf32, #tpu.memory_space<vmem>>, vector<64x128xf32>,
    %get3A_36 = arith.constant 0 : index
    %get3A_37 = arith.constant 0 : index
    %get3A_38 = vector.load %arg15[%get3A_36, %get3A_37] : memref<64x1xf32, #tpu.memory_space<vmem>>, vector<64x1xf32>
    %reduce_sum3A = arith.constant dense<0.000000e+00> : vector<64xf32>
    %reduce_sum3A_39 = vector.multi_reduction <add>, %convert_element_type3A_28, %reduce_sum3A [1] : vector<64x2048xf32> to vector<64xf32>
    %broadcast_in_dim3A_40 = vector.shape_cast %reduce_sum3A_39 : vector<64xf32> to vector<64x1xf32>
    %add3A_41 = arith.addf %get3A_38, %broadcast_in_dim3A_40 : vector<64x1xf32>
    %swap3A_42 = arith.constant 0 : index
    %swap3A_43 = arith.constant 0 : index
    %swap3A_44 = vector.load %arg15[%swap3A_42, %swap3A_43] : memref<64x1xf32, #tpu.memory_space<vmem>>, vector<64x1xf32>
    tpu.vector_store %arg15[%swap3A_42, %swap3A_43], %add3A_41 {strides = array<i32>} : memref<64x1xf32, #tpu.memory_space<vmem>>, vector<64x1xf32>,
    %eq3A_45 = arith.constant 4 : i32
    %eq3A_46 = arith.cmpi eq, %arg0, %eq3A_45 : i32
    %convert_element_type3A_47 = arith.extui %eq3A_46 : i1 to i32
    %cond3A_48 = arith.constant 0 : i32
    %cond3A_49 = arith.cmpi ne, %convert_element_type3A_47, %cond3A_48 : i32
    scf.if %cond3A_49 {
      %get3A_50 = arith.constant 0 : index
      %get3A_51 = arith.constant 0 : index
      %get3A_52 = vector.load %arg14[%get3A_50, %get3A_51] : memref<64x128xf32, #tpu.memory_space<vmem>>, vector<64x128xf32>
      %get3A_53 = arith.constant 0 : index
      %get3A_54 = arith.constant 0 : index
      %get3A_55 = vector.load %arg15[%get3A_53, %get3A_54] : memref<64x1xf32, #tpu.memory_space<vmem>>, vector<64x1xf32>
      %max3A = arith.constant 1.000000e+00 : f32
      %max3A_56 = vector.broadcast %max3A : f32 to vector<64x1xf32>
      %max3A_57 = arith.maximumf %get3A_55, %max3A_56 : vector<64x1xf32>
      %div3A = vector.broadcast %max3A_57 : vector<64x1xf32> to vector<64x128xf32>
      %div3A_58 = arith.divf %get3A_52, %div3A : vector<64x128xf32>
      %get3A_59 = arith.constant 0 : index
      %get3A_60 = arith.constant 0 : index
      %get3A_61 = vector.load %arg7[%get3A_59, %get3A_60] : memref<128x128xf32, #tpu.memory_space<vmem>>, vector<128x128xf32>
      %dot_general3A_62 = arith.constant dense<0.000000e+00> : vector<64x128xf32>
      %dot_general3A_63 = tpu.matmul %div3A_58, %get3A_61, %dot_general3A_62 {dimension_numbers = #tpu.dot_dimension_numbers<[1], [0], [0], [1], [0, 0, 1, 1], [], []>, transpose_lhs_hint = false} : vector<64x128xf32>, vector<128x128xf32>, vector<64x128xf32> -> vector<64x128xf32>
      %get3A_64 = arith.constant 0 : index
      %get3A_65 = arith.constant 0 : index
      %get3A_66 = vector.load %arg8[%get3A_64, %get3A_65] : memref<1x128xf32, #tpu.memory_space<vmem>>, vector<1x128xf32>
      %add3A_67 = vector.broadcast %get3A_66 : vector<1x128xf32> to vector<64x128xf32>
      %add3A_68 = arith.addf %dot_general3A_63, %add3A_67 : vector<64x128xf32>
      %max3A_69 = arith.constant 0.000000e+00 : f32
      %max3A_70 = vector.broadcast %max3A_69 : f32 to vector<64x128xf32>
      %max3A_71 = arith.maximumf %add3A_68, %max3A_70 : vector<64x128xf32>
      %get3A_72 = arith.constant 0 : index
      %get3A_73 = arith.constant 0 : index
      %get3A_74 = vector.load %arg9[%get3A_72, %get3A_73] : memref<128x128xf32, #tpu.memory_space<vmem>>, vector<128x128xf32>
      %dot_general3A_75 = arith.constant dense<0.000000e+00> : vector<64x128xf32>
      %dot_general3A_76 = tpu.matmul %max3A_71, %get3A_74, %dot_general3A_75 {dimension_numbers = #tpu.dot_dimension_numbers<[1], [0], [0], [1], [0, 0, 1, 1], [], []>, transpose_lhs_hint = false} : vector<64x128xf32>, vector<128x128xf32>, vector<64x128xf32> -> vector<64x128xf32>
      %get3A_77 = arith.constant 0 : index
      %get3A_78 = arith.constant 0 : index
      %get3A_79 = vector.load %arg10[%get3A_77, %get3A_78] : memref<1x128xf32, #tpu.memory_space<vmem>>, vector<1x128xf32>
      %add3A_80 = vector.broadcast %get3A_79 : vector<1x128xf32> to vector<64x128xf32>
      %add3A_81 = arith.addf %dot_general3A_76, %add3A_80 : vector<64x128xf32>
      %max3A_82 = arith.constant 0.000000e+00 : f32
      %max3A_83 = vector.broadcast %max3A_82 : f32 to vector<64x128xf32>
      %max3A_84 = arith.maximumf %add3A_81, %max3A_83 : vector<64x128xf32>
      %get3A_85 = arith.constant 0 : index
      %get3A_86 = arith.constant 0 : index
      %get3A_87 = vector.load %arg11[%get3A_85, %get3A_86] : memref<128x1xf32, #tpu.memory_space<vmem>>, vector<128x1xf32>
      %dot_general3A_88 = arith.constant dense<0.000000e+00> : vector<64x1xf32>
      %dot_general3A_89 = tpu.matmul %max3A_84, %get3A_87, %dot_general3A_88 {dimension_numbers = #tpu.dot_dimension_numbers<[1], [0], [0], [1], [0, 0, 1, 1], [], []>, transpose_lhs_hint = false} : vector<64x128xf32>, vector<128x1xf32>, vector<64x1xf32> -> vector<64x1xf32>
      %get3A_90 = arith.constant 0 : index
      %get3A_91 = arith.constant 0 : index
      %get3A_92 = vector.load %arg12[%get3A_90, %get3A_91] : memref<1x1xf32, #tpu.memory_space<vmem>>, vector<1x1xf32>
      %add3A_93 = vector.broadcast %get3A_92 : vector<1x1xf32> to vector<64x1xf32>
      %add3A_94 = arith.addf %dot_general3A_89, %add3A_93 : vector<64x1xf32>
      %swap3A_95 = arith.constant 0 : index
      %swap3A_96 = arith.constant 0 : index
      %swap3A_97 = vector.load %arg13[%swap3A_95, %swap3A_96] : memref<64x1xf32, #tpu.memory_space<vmem>>, vector<64x1xf32>
      tpu.vector_store %arg13[%swap3A_95, %swap3A_96], %add3A_94 {strides = array<i32>} : memref<64x1xf32, #tpu.memory_space<vmem>>, vector<64x1xf32>,
    } else {
    }
    return
  }
  func.func @transform_0(%arg0: i32) -> (i32, i32) {
    %c0_i32 = arith.constant 0 : i32
    %c0_i32_0 = arith.constant 0 : i32
    return %arg0, %c0_i32 : i32, i32
  }
  func.func @transform_1(%arg0: i32) -> (i32, i32) {
    %c0_i32 = arith.constant 0 : i32
    %c0_i32_0 = arith.constant 0 : i32
    return %arg0, %c0_i32 : i32, i32
  }
  func.func @transform_2(%arg0: i32) -> (i32, i32) {
    %c0_i32 = arith.constant 0 : i32
    %c0_i32_0 = arith.constant 0 : i32
    return %arg0, %c0_i32 : i32, i32
  }
  func.func @transform_3(%arg0: i32) -> (i32, i32) {
    %c0_i32 = arith.constant 0 : i32
    %c0_i32_0 = arith.constant 0 : i32
    return %arg0, %c0_i32 : i32, i32
  }
  func.func @transform_4(%arg0: i32) -> (i32, i32) {
    %c0_i32 = arith.constant 0 : i32
    %c0_i32_0 = arith.constant 0 : i32
    %c0_i32_1 = arith.constant 0 : i32
    return %c0_i32, %c0_i32_0 : i32, i32
  }
  func.func @transform_5(%arg0: i32) -> (i32, i32, i32) {
    %c0_i32 = arith.constant 0 : i32
    %c0_i32_0 = arith.constant 0 : i32
    %c0_i32_1 = arith.constant 0 : i32
    return %arg0, %c0_i32, %c0_i32_0 : i32, i32, i32
  }
  func.func @transform_6(%arg0: i32) -> (i32, i32) {
    %c0_i32 = arith.constant 0 : i32
    %c0_i32_0 = arith.constant 0 : i32
    %c0_i32_1 = arith.constant 0 : i32
    return %c0_i32, %c0_i32_0 : i32, i32
  }
  func.func @transform_7(%arg0: i32) -> (i32, i32) {
    %c0_i32 = arith.constant 0 : i32
    %c0_i32_0 = arith.constant 0 : i32
    %c0_i32_1 = arith.constant 0 : i32
    return %c0_i32, %c0_i32_0 : i32, i32
  }
  func.func @transform_8(%arg0: i32) -> (i32, i32) {
    %c0_i32 = arith.constant 0 : i32
    %c0_i32_0 = arith.constant 0 : i32
    %c0_i32_1 = arith.constant 0 : i32
    return %c0_i32, %c0_i32_0 : i32, i32
  }
  func.func @transform_9(%arg0: i32) -> (i32, i32) {
    %c0_i32 = arith.constant 0 : i32
    %c0_i32_0 = arith.constant 0 : i32
    %c0_i32_1 = arith.constant 0 : i32
    return %c0_i32, %c0_i32_0 : i32, i32
  }
  func.func @transform_10(%arg0: i32) -> (i32, i32) {
    %c0_i32 = arith.constant 0 : i32
    %c0_i32_0 = arith.constant 0 : i32
    %c0_i32_1 = arith.constant 0 : i32
    return %c0_i32, %c0_i32_0 : i32, i32
  }
  func.func @transform_11(%arg0: i32) -> (i32, i32) {
    %c0_i32 = arith.constant 0 : i32
    %c0_i32_0 = arith.constant 0 : i32
    %c0_i32_1 = arith.constant 0 : i32
    return %c0_i32, %c0_i32_0 : i32, i32
  }
  func.func @transform_12(%arg0: i32) -> (i32, i32) {
    %c0_i32 = arith.constant 0 : i32
    %c0_i32_0 = arith.constant 0 : i32
    %c0_i32_1 = arith.constant 0 : i32
    return %c0_i32, %c0_i32_0 : i32, i32
  }
}

</mosaic_0001>

<sc_bundles>
// kernel: kernel.10.cloned.1.call-start
scs
__scs_entry_jumppad:
0x0: {  	(pc) =	sbr.rel $0x88, $3  }
0x1: {  	(tag) =	ssettag $0x0;
	lr =	simm.s32 $0x1  }
0x2: {  	[smem:$0x3F92] =	sst lr;
	_ =	strace $0xD0000000  }
0x3: {  	_ = 	snop  }
0x4: {  	_ = 	snop  }
0x5: {  	_ = 	snop  }
0x6: {  	_ = 	snop  }
0x7: {  	_ = 	snop  }
__scs_overlays_trampoline_lowered:
0x8: {  	[smem:$0x3FA1] =	sst s0  }
0x9: {  	[smem:$0x3FA2] =	sst s1  }
0xa: {  	[smem:$0x3FA3] =	sst s2  }
0xb: {  	[smem:$0x3FA4] =	sst s3  }
0xc: {  	[smem:$0x3FA5] =	sst s4  }
0xd: {  	[smem:$0x3FA6] =	sst s5  }
0xe: {  	[smem:$0x3FA7] =	sst s6  }
0xf: {  	[smem:$0x3FA8] =	sst s7  }
0x10: {  	[smem:$0x3FA9] =	sst s8  }
0x11: {  	[smem:$0x3FAA] =	sst s9;
	s0 =	simm.s32 @!p0 $0x0  }
0x12: {  	s1 =	sld [smem:$0x3F90];
	s0 =	simm.s32 @p0 $0x1  }
0x13: {  	[smem:$0x3FAB] =	sst s0;
	s0 =	simm.s32 @!p1 $0x0  }
0x14: {  	s2 =	sld [smem:$0x3F8F];
	s0 =	simm.s32 @p1 $0x1  }
0x15: {  	[smem:$0x3FAC] =	sst s0;
	s0 =	simm.s32 @!p2 $0x0  }
0x16: {  	s3 =	sld [smem:$0x3FDB];
	s0 =	simm.s32 @p2 $0x1  }
0x17: {  	s4 =	simm.s32 $0x1BF5;
	[smem:$0x3FAE] =	sst s0  }
0x18: {  	s0 =	sld [smem:$0x3F91];
	_ =	swait.ge [sflag:s4], $0x0  }
0x19: {  	s7 =	sld [smem:$0x3F92]  }
0x1a: {  	s8 =	sadd.s32 $0xFFFFE003, lr  }
0x1b: {  	s9 =	sadd.s32 $0xFFFFFEF7, lr;
	s5 =	simm.s32 $0xFFFFFFFF;
	p2 =	slt.u32 s8, $0xFFFFF086  }
0x1c: {  	p1 =	slt.u32 s9, $0xF7A;
	s5 =	simm.s32 @!p2 $0x0  }
0x1d: {  	s5 =	simm.s32 @p1 $0x1;
	p0 =	seq.s32 s7, s2  }
0x1e: {  	s7 =	smul.u32 @!p0 $0xF7A, s2;
	p2 =	seq.s32 @!p0 s5, $0x0  }
0x1f: {  	s9 =	smul.u32 $0xF7A, s1;
	s8 =	simm.s32 @!p0 $0x1BF5;
	p2 =	por !p2, p0  }
0x20: {  	[sflag:s8] =	ssyncset.s32 @!p0 $0xFFFFF086;
	s6 =	sadd.s32 @!p0 s3, s7;
	s7 =	simm.s32 @!p0 $0x108  }
0x21: {  	s3 =	sadd.s32 s3, s9;
	s6 =	sadd.s32 @!p0 $0x88, s6;
	s7 =	simm.s32 @p2 $0x1082  }
0x22: {  	[simem:s7], [sflag:s8] =	dma.local @!p0 [hbm:s6], $0xF7A  }
0x23: {  	s9 =	sor.u32 $0xD0000000, s2;
	s6 =	simm.s32 $0x108;
	_ =	swait.ge @!p0 [sflag:s8], $0x0  }
0x24: {  	s3 =	sadd.s32 $0x88, s3;
	s6 =	simm.s32 @!p1 $0x1082;
	[sflag:s4] =	ssyncset.s32 $0xFFFFF086  }
0x25: {  	[simem:s6], [sflag:s4] =	dma.local [hbm:s3], $0xF7A  }
0x26: {  	[smem:$0x3F92] =	sst s1;
	(tag) =	ssettag s2;
	_ =	strace s9  }
0x27: {  	s1 =	sld [smem:$0x3FA2]  }
0x28: {  	s2 =	sld [smem:$0x3FA3]  }
0x29: {  	s4 =	sld [smem:$0x3FA5]  }
0x2a: {  	p0 =	seq.s32 s5, $0x0;
	s5 =	sld [smem:$0x3FA6]  }
0x2b: {  	s6 =	sld [smem:$0x3FA7]  }
0x2c: {  	s7 =	sld [smem:$0x3FA8]  }
0x2d: {  	s3 =	simm.s32 $0x108;
	s8 =	sld [smem:$0x3FA9]  }
0x2e: {  	s3 =	simm.s32 @!p0 $0x1082;
	s9 =	sld [smem:$0x3FAA]  }
0x2f: {  	lr =	sadd.s32 s0, s3;
	s0 =	sld [smem:$0x3FA1]  }
0x30: {  	s3 =	sld [smem:$0x3FA4]  }
0x31: {  	[smem:$0x3FAD] =	sst s10  }
0x32: {  	s10 =	sld [smem:$0x3FAB];
	_ =	sdelay $0x3  }
0x33: {  	p0 =	seq.s32 s10, $0x1;
	s10 =	sld [smem:$0x3FAD];
	_ =	sdelay $0x3  }
0x34: {  	[smem:$0x3FAD] =	sst s10  }
0x35: {  	s10 =	sld [smem:$0x3FAC];
	_ =	sdelay $0x3  }
0x36: {  	p1 =	seq.s32 s10, $0x1;
	s10 =	sld [smem:$0x3FAD];
	_ =	sdelay $0x3  }
0x37: {  	[smem:$0x3FAD] =	sst s10  }
0x38: {  	s10 =	sld [smem:$0x3FAE]  }
0x39: {  	_ = 	snop;
	(pc) =	sbr.ind lr, $3  }
0x3a: {  	_ = 	snop  }
0x3b: {  	_ = 	snop  }
0x3c: {  	p2 =	seq.s32 s10, $0x1;
	s10 =	sld [smem:$0x3FAD]  }
0x3d: {  	_ =	shalt  }
0x3e: {  	_ =	shalt  }
0x3f: {  	_ =	shalt  }
0x40: {  	_ =	shalt  }
0x41: {  	_ =	shalt  }
0x42: {  	_ =	shalt  }
0x43: {  	_ =	shalt  }
0x44: {  	_ =	shalt  }
0x45: {  	_ =	shalt  }
0x46: {  	_ =	shalt  }
0x47: {  	_ =	shalt  }
0x48: {  	_ =	shalt  }
0x49: {  	_ =	shalt  }
0x4a: {  	_ =	shalt  }
0x4b: {  	_ =	shalt  }
0x4c: {  	_ =	shalt  }
0x4d: {  	_ =	shalt  }
0x4e: {  	_ =	shalt  }
0x4f: {  	_ =	shalt  }
0x50: {  	_ =	shalt  }
0x51: {  	_ =	shalt  }
0x52: {  	_ =	shalt  }
0x53: {  	_ =	shalt  }
0x54: {  	_ =	shalt  }
0x55: {  	_ =	shalt  }
0x56: {  	_ =	shalt  }
0x57: {  	_ =	shalt  }
0x58: {  	_ =	shalt  }
0x59: {  	_ =	shalt  }
0x5a: {  	_ =	shalt  }
0x5b: {  	_ =	shalt  }
0x5c: {  	_ =	shalt  }
0x5d: {  	_ =	shalt  }
0x5e: {  	_ =	shalt  }
0x5f: {  	_ =	shalt  }
0x60: {  	_ =	shalt  }
0x61: {  	_ =	shalt  }
0x62: {  	_ =	shalt  }
0x63: {  	_ =	shalt  }
0x64: {  	_ =	shalt  }
0x65: {  	_ =	shalt  }
0x66: {  	_ =	shalt  }
0x67: {  	_ =	shalt  }
0x68: {  	_ =	shalt  }
0x69: {  	_ =	shalt  }
0x6a: {  	_ =	shalt  }
0x6b: {  	_ =	shalt  }
0x6c: {  	_ =	shalt  }
0x6d: {  	_ =	shalt  }
0x6e: {  	_ =	shalt  }
0x6f: {  	_ =	shalt  }
0x70: {  	_ =	shalt  }
0x71: {  	_ =	shalt  }
0x72: {  	_ =	shalt  }
0x73: {  	_ =	shalt  }
0x74: {  	_ =	shalt  }
0x75: {  	_ =	shalt  }
0x76: {  	_ =	shalt  }
0x77: {  	_ =	shalt  }
0x78: {  	_ =	shalt  }
0x79: {  	_ =	shalt  }
0x7a: {  	_ =	shalt  }
0x7b: {  	_ =	shalt  }
0x7c: {  	_ =	shalt  }
0x7d: {  	_ =	shalt  }
0x7e: {  	_ =	shalt  }
0x7f: {  	_ =	shalt  }
0x80: {  	_ =	shalt  }
0x81: {  	_ =	shalt  }
0x82: {  	_ =	shalt  }
0x83: {  	_ =	shalt  }
0x84: {  	_ =	shalt  }
0x85: {  	_ =	shalt  }
0x86: {  	_ =	shalt  }
0x87: {  	_ =	shalt  }
.Lfunc_end0:
.L_simem_size_0:
called_computation_lowered:
.L_overlay_start_0:
0x88: {  	s2 =	sld [smem:$0x3FD9]  }
0x89: {  	s3 =	sld [smem:$0x3FFE];
	_ =	sdelay $0x1  }
0x8a: {  	s1 =	srdreg.scid  }
0x8b: {  	s0 =	sand.u32 $0x1, s1  }
0x8c: {  	s16 =	sshll.u32 s0, $0xA;
	s2 =	sadd.s32 s3, s2  }
0x8d: {  	s2 =	sadd.s32 s2, s16  }
0x8e: {  	[smem:$0x3FB9] =	sst s2  }
0x8f: {  	_ = 	snop  }
0x90: {  	(tm) =	ssettm $0x1  }
0x91: {  	s17 =	sld [smem:$0x3FFB];
	_ =	sdelay $0x3  }
0x92: {  	_ =	strace s17  }
0x93: {  	s2 =	sld [smem:$0x3FFC];
	_ =	sdelay $0x3  }
0x94: {  	_ =	strace s2  }
0x95: {  	s2 =	sld [smem:$0x3FFD];
	_ =	sdelay $0x3  }
0x96: {  	_ =	strace s2  }
0x97: {  	_ =	strace $0x8FFFFFFF  }
0x98: {  	s18 =	sld [smem:$0x3FDB];
	_ =	sdelay $0x1  }
0x99: {  	s19 =	simm.s32 $_scs_section_size  }
0x9a: {  	s4 =	simm.s32 $_size__tile_overlayer_lowered;
	s5 =	simm.s32 $_tile_overlayer_lowered  }
0x9b: {  	s22 =	simm.s32 $0x1BFF;
	s21 =	sshll.u32 s5, $0x1;
	s2 =	sadd.s32 s19, s18  }
0x9c: {  	s6 =	simm.s32 $0x0;
	s20 =	sshll.u32 s4, $0x1;
	s4 =	sadd.s32 s21, s2  }
0x9d: {  	[timem:s6], [sflag:s22] =	dma.local [hbm:s4], s20  }
0x9e: {  	_ =	swait.ge [sflag:s22], s20  }
0x9f: {  	s3 =	ssub.s32 $0x0, s20;
	[sflag:s22] =	ssyncset.done $0x0  }
0xa0: {  	[sflag:s22] =	ssyncadd.s32 s3;
	_ =	sdelay $0x1  }
0xa1: {  	s23 =	simm.s32 $0x1B8B  }
0xa2: {  	_ =	swait.ge [sflag:s23], $0x1  }
0xa3: {  	[sflag:s23] =	ssyncset.done $0x0  }
0xa4: {  	s25 =	simm.s32 $0x1B8E;
	s24 =	sld [smem:$0x3FFE];
	[sflag:s23] =	ssyncadd.s32 $0xFFFFFFFF  }
0xa5: {  	s26 =	simm.s32 $execute0_lowered;
	[smem:$0x3FD2] =	sst s25  }
0xa6: {  	s4 =	sshll.u32 s26, $0x1;
	_ =	strace $0x80000046;
	[dreg:$0x1] =	wrdreg $0xFFFFFFFF  }
0xa7: {  	s28 =	simm.s32 $_size_execute0_lowered;
	s2 =	sadd.s32 s2, s4;
	[dreg:$0x0] =	wrdreg $0x0  }
0xa8: {  	s4 =	sshll.u32 s28, $0x1;
	[dreg:$0x2] =	wrdreg s2  }
0xa9: {  	[dreg:$0x3] =	wrdreg s4  }
0xaa: {  	[dreg:$0x4] =	wrdreg $0xC0  }
0xab: {  	_ =	task [dreg:s6], $0x5FFFF  }
0xac: {  	[dreg:$0x1] =	wrdreg $0xFFFFFFFF  }
0xad: {  	[dreg:$0x0] =	wrdreg $0x60  }
0xae: {  	[dreg:$0x2] =	wrdreg s24  }
0xaf: {  	[dreg:$0x3] =	wrdreg $0x28800  }
0xb0: {  	[dreg:$0x4] =	wrdreg $0x9  }
0xb1: {  	_ =	task.clear_ibuf [dreg:s6], $0x5FFFF;
	_ =	strace $0x90000046  }
0xb2: {  	s29 =	simm.s32 $0x9;
	_ =	strace $0x80000048  }
0xb3: {  	_ =	swait.ge [sflag:s29], $0x1  }
0xb4: {  	[sflag:s29] =	ssyncadd.s32 $0xFFFFFFFF  }
0xb5: {  	_ =	strace $0x90000048  }
0xb6: {  	_ =	sfence  }
0xb7: {  	s30 =	sld [smem:$0x0];
	_ =	sdelay $0x2  }
0xb8: {  	s31 =	sshll.u32 s1, $0xD;
	s1 =	sshrl.u32 s1, $0x2  }
0xb9: {  	s3 =	sand.u32 $0x4000, s31;
	s1 =	sadd.s32 s1, s30  }
0xba: {  	s0 =	sor.u32 s3, s0;
	s1 =	sshll.u32 s1, $0x11  }
0xbb: {  	s0 =	sor.u32 s1, s0  }
0xbc: {  	s0 =	sadd.s32 $0x8F2B, s0  }
0xbd: {  	[sflag:s0] =	ssyncadd.remote.s32 $0x1  }
0xbe: {  	_ =	sfence.sel $0xFFFF  }
0xbf: {  	[dreg:$0x0] =	wrdreg $0xFFFFFFFF;
	(pc) =	sbr.abs _section_cstart, $3  }
0xc0: {  	[dreg:$0x1] =	wrdreg $0xFFFFFFFF  }
0xc1: {  	_ =	task.clear_ibuf [dreg:s6], $0x2FFFF;
	_ =	strace $0x9FFFFFFF  }
0xc2: {  	(tm) =	ssettm $0x7FFFFFFF  }
0xc3: {  	_ =	shalt  }
tec
execute0_lowered:
.L_overlay_start_1:
0x0: {  	(tag) =	ssettag $0x1  }
0x1: {  	s0 =	srdreg.scid;
	s5 =	rddreg [dreg:$0x0]  }
0x2: {  	s2 =	rddreg [dreg:$0x1];
	s6 =	sand.u32 $0x1, s0  }
0x3: {  	s0 =	stileid.u32;
	s4 =	smul.u32 $0x27100, s6  }
0x4: {  	s1 =	rddreg [dreg:$0x2];
	s3 =	simm.s32 $0x0;
	s7 =	smul.u32 $0x2710, s0  }
0x5: {  	s12 =	simm.s32 $0x80;
	[smem:$0x7FF] =	sst s3;
	s8 =	smul.u32 $0x140000, s6  }
0x6: {  	s13 =	simm.s32 $0x0;
	s28 =	smul.u32 $0x14000, s0;
	_ =	strace $0x80000047  }
0x7: {  	s29 =	smul.u32 $0x50000, s0;
	s6 =	ssub.s32 $0x2, s6;
	s31 =	sshll.u32 s0, $0x6  }
0x8: {  	s30 =	sshrl.u32 s6, $0x1;
	s4 =	sadd.s32 s7, s4;
	s7 =	sadd.s32 s28, s8  }
0x9: {  	s8 =	sshrl.u32 s29, $0x2;
	s10 =	ssub.s32 s6, s30;
	s4 =	sshrl.u32 s4, $0x3  }
0xa: {  	s7 =	sshrl.u32 s7, $0x3;
	s11 =	sadd.s32 s8, s2;
	s9 =	sadd.s32 s4, s5  }
0xb: {  	s4 =	sadd.s32 $0x19600, s5;
	s7 =	sadd.s32 s7, s5;
	s5 =	sor.u32 $0x1C01, s31  }
0xc: {  	s6 =	sadd.s32 $0x1BE00, s7;
	s7 =	smax.u32 s10, $0x1;
	s8 =	sadd.s32 $0xF800, s9  }
0xd: {  	v0 =	vimm.f32 $1.000000000e+00;
	s9 =	sshrl.u32 s11, $0x3;
	s10 =	simm.s32 $0x1;
	s11 =	simm.s32 $0x50  }
.LBB2_1:
0xe: {  	s14 =	simm.s32 $0x200;
	s15 =	simm.s32 $0x0  }
.LBB2_2:
0xf: {  	p0 =	sne.s32 s14, $0x9E00;
	[tilespmem:s15+$0x80] =	vst v0;
	s15 =	smov.u32 s14;
	s14 =	sadd.s32 $0x200, s14  }
.Ltmp0:
0x10: {  	(pc) =	sbr.rel @p0 .LBB2_2-.Ltmp0, $2  }
0x11: {  	_ =	sdelay $0x2  }
0x12: {  	s15 =	sshra.s32 s15, $0x2  }
0x13: {  	[tilespmem:s15+$0x80] =	vst v0  }
0x14: {  	[spmem:s9], [sflag:s5] =	dma.local [hbm:s4], $0x2800  }
0x15: {  	_ =	swait.ge [sflag:s10], $0x2800  }
0x16: {  	[sflag:s10] =	ssyncset.done $0x0  }
0x17: {  	[sflag:s10] =	ssyncadd.s32 $0xFFFFD800  }
0x18: {  	s14 =	sadd.s32 $0x0, s8;
	[bflag:$0x0] =	sbarrier.arrive $0xFFFF  }
0x19: {  	[tilespmem:s3], [sflag:$0x1] =	stream.linear.gather [hbm4b:s14+s3], $0x50, $0x38;
	[tilespmem:$0x5080] =	vst v63  }
0x1a: {  	_ =	swait.ge [sflag:s10], $0x50  }
0x1b: {  	[sflag:s10] =	ssyncset.done $0x0  }
0x1c: {  	[sflag:s10] =	ssyncadd.s32 $0xFFFFFFB0  }
0x1d: {  	[spmem:s2] =	stream.indirect.scatter.add.f32 [tilespmem:s12], [sflag:$0x1], $0x10, s3, s11, $0xb8;
	[tilespmem:$0x5080] =	vst v63  }
0x1e: {  	_ =	swait.ge [sflag:s10], $0x500  }
0x1f: {  	s15 =	simm.s32 $0x14;
	s14 =	simm.s32 $0xA;
	[sflag:s10] =	ssyncset.done $0x0  }
.LBB2_4:
0x20: {  	s16 =	sadd.s32 s14, s8  }
0x21: {  	[sflag:s10] =	ssyncadd.s32 $0xFFFFFB00;
	s14 =	smov.u32 s15;
	s17 =	sadd.s32 $0xA, s15  }
0x22: {  	[tilespmem:s3], [sflag:$0x1] =	stream.linear.gather [hbm4b:s16+s3], $0x50, $0x38;
	[tilespmem:$0x5080] =	vst v63  }
0x23: {  	p0 =	sne.s32 s15, $0x4D8;
	_ =	swait.ge [sflag:s10], $0x50  }
.Ltmp1:
0x24: {  	[sflag:s10] =	ssyncset.done $0x0;
	(pc) =	sbr.rel @p0 .LBB2_4-.Ltmp1, $4  }
0x25: {  	[sflag:s10] =	ssyncadd.s32 $0xFFFFFFB0  }
0x26: {  	[spmem:s2] =	stream.indirect.scatter.add.f32 [tilespmem:s12], [sflag:$0x1], $0x10, s3, s11, $0xb8;
	[tilespmem:$0x5080] =	vst v63  }
0x27: {  	_ =	swait.ge [sflag:s10], $0x500  }
0x28: {  	s15 =	smov.u32 s17;
	[sflag:s10] =	ssyncset.done $0x0  }
0x29: {  	s14 =	sadd.s32 s14, s8;
	[sflag:s10] =	ssyncadd.s32 $0xFFFFFB00  }
0x2a: {  	[tilespmem:s3], [sflag:$0x1] =	stream.linear.gather [hbm4b:s14+s3], $0x50, $0x38;
	[tilespmem:$0x5080] =	vst v63  }
0x2b: {  	_ =	swait.ge [sflag:s10], $0x50  }
0x2c: {  	[sflag:s10] =	ssyncset.done $0x0  }
0x2d: {  	[sflag:s10] =	ssyncadd.s32 $0xFFFFFFB0  }
0x2e: {  	[spmem:s2] =	stream.indirect.scatter.add.f32 [tilespmem:s12], [sflag:$0x1], $0x10, s3, s11, $0xb8;
	[tilespmem:$0x5080] =	vst v63  }
0x2f: {  	_ =	swait.ge [sflag:s10], $0x500  }
0x30: {  	s13 =	sadd.s32 $0x1, s13;
	[sflag:s10] =	ssyncset.done $0x0  }
0x31: {  	p0 =	sne.s32 s13, s7;
	[sflag:s10] =	ssyncadd.s32 $0xFFFFFB00  }
.Ltmp2:
0x32: {  	[bflag:$0x0] =	sbarrier.arrive $0xFFFF;
	(pc) =	sbr.rel @p0 .LBB2_1-.Ltmp2, $4  }
0x33: {  	[hbm:s6], [sflag:s5] =	dma.local [spmem:s9], $0x2800  }
0x34: {  	_ =	swait.ge [sflag:s10], $0x2800  }
0x35: {  	[sflag:s10] =	ssyncset.done $0x0  }
0x36: {  	[sflag:s10] =	ssyncadd.s32 $0xFFFFD800  }
0x37: {  	_ =	sfence.sel $0x180000  }
0x38: {  	[bflag:$0x0] =	sbarrier.arrive $0xFFFF  }
0x39: {  	p0 =	sne.s32 s0, $0x0;
	_ =	strace $0x90000047  }
0x3a: {  	s0 =	sadd.s32 @!p0 $0x100000, s1;
	[bflag:$0x2] =	sbarrier.arrive $0xFFFF  }
0x3b: {  	[sflag:s0] =	ssyncadd.tile.s32 @!p0 $0x1;
	_ =	shalt  }
.Lfunc_end2:
_tile_overlayer_lowered:
.L_overlay_start_2:
0x3c: {  	(tag) =	ssettag $0x2  }
0x3d: {  	s0 =	rddreg [dreg:$0x0];
	s2 =	stileid.u32  }
0x3e: {  	s1 =	rddreg [dreg:$0x1];
	p0 =	sne.s32 s2, $0x0  }
0x3f: {  	s3 =	rddreg [dreg:$0x2];
	[bflag:$0x3] =	sbarrier.arrive $0xFFFF;
	s2 =	simm.s32 @!p0 $0x1C01  }
0x40: {  	[timem:s3], [sflag:s2] =	dma.local @!p0 [hbm:s0], s1  }
0x41: {  	s0 =	simm.s32 @!p0 $0x1  }
0x42: {  	_ =	swait.ge @!p0 [sflag:s0], s1  }
0x43: {  	s1 =	ssub.s32 @!p0 $0x0, s1;
	[sflag:s0] =	ssyncset.done @!p0 $0x0  }
0x44: {  	[sflag:s0] =	ssyncadd.s32 @!p0 s1  }
0x45: {  	[bflag:$0x3] =	sbarrier.arrive $0xFFFF  }
0x46: {  	_ =	shalt  }

// kernel: kernel.13.cloned.1.call-start
scs
__scs_entry_jumppad:
0x0: {  	(pc) =	sbr.rel $0x88, $3  }
0x1: {  	(tag) =	ssettag $0x0;
	lr =	simm.s32 $0x1  }
0x2: {  	[smem:$0x3F92] =	sst lr;
	_ =	strace $0xD0000000  }
0x3: {  	_ = 	snop  }
0x4: {  	_ = 	snop  }
0x5: {  	_ = 	snop  }
0x6: {  	_ = 	snop  }
0x7: {  	_ = 	snop  }
__scs_overlays_trampoline_lowered:
0x8: {  	[smem:$0x3FA1] =	sst s0  }
0x9: {  	[smem:$0x3FA2] =	sst s1  }
0xa: {  	[smem:$0x3FA3] =	sst s2  }
0xb: {  	[smem:$0x3FA4] =	sst s3  }
0xc: {  	[smem:$0x3FA5] =	sst s4  }
0xd: {  	[smem:$0x3FA6] =	sst s5  }
0xe: {  	[smem:$0x3FA7] =	sst s6  }
0xf: {  	[smem:$0x3FA8] =	sst s7  }
0x10: {  	[smem:$0x3FA9] =	sst s8  }
0x11: {  	[smem:$0x3FAA] =	sst s9;
	s0 =	simm.s32 @!p0 $0x0  }
0x12: {  	s1 =	sld [smem:$0x3F90];
	s0 =	simm.s32 @p0 $0x1  }
0x13: {  	[smem:$0x3FAB] =	sst s0;
	s0 =	simm.s32 @!p1 $0x0  }
0x14: {  	s2 =	sld [smem:$0x3F8F];
	s0 =	simm.s32 @p1 $0x1  }
0x15: {  	[smem:$0x3FAC] =	sst s0;
	s0 =	simm.s32 @!p2 $0x0  }
0x16: {  	s3 =	sld [smem:$0x3FDB];
	s0 =	simm.s32 @p2 $0x1  }
0x17: {  	s4 =	simm.s32 $0x1BF5;
	[smem:$0x3FAE] =	sst s0  }
0x18: {  	s0 =	sld [smem:$0x3F91];
	_ =	swait.ge [sflag:s4], $0x0  }
0x19: {  	s7 =	sld [smem:$0x3F92]  }
0x1a: {  	s8 =	sadd.s32 $0xFFFFE003, lr  }
0x1b: {  	s9 =	sadd.s32 $0xFFFFFEF7, lr;
	s5 =	simm.s32 $0xFFFFFFFF;
	p2 =	slt.u32 s8, $0xFFFFF086  }
0x1c: {  	p1 =	slt.u32 s9, $0xF7A;
	s5 =	simm.s32 @!p2 $0x0  }
0x1d: {  	s5 =	simm.s32 @p1 $0x1;
	p0 =	seq.s32 s7, s2  }
0x1e: {  	s7 =	smul.u32 @!p0 $0xF7A, s2;
	p2 =	seq.s32 @!p0 s5, $0x0  }
0x1f: {  	s9 =	smul.u32 $0xF7A, s1;
	s8 =	simm.s32 @!p0 $0x1BF5;
	p2 =	por !p2, p0  }
0x20: {  	[sflag:s8] =	ssyncset.s32 @!p0 $0xFFFFF086;
	s6 =	sadd.s32 @!p0 s3, s7;
	s7 =	simm.s32 @!p0 $0x108  }
0x21: {  	s3 =	sadd.s32 s3, s9;
	s6 =	sadd.s32 @!p0 $0x88, s6;
	s7 =	simm.s32 @p2 $0x1082  }
0x22: {  	[simem:s7], [sflag:s8] =	dma.local @!p0 [hbm:s6], $0xF7A  }
0x23: {  	s9 =	sor.u32 $0xD0000000, s2;
	s6 =	simm.s32 $0x108;
	_ =	swait.ge @!p0 [sflag:s8], $0x0  }
0x24: {  	s3 =	sadd.s32 $0x88, s3;
	s6 =	simm.s32 @!p1 $0x1082;
	[sflag:s4] =	ssyncset.s32 $0xFFFFF086  }
0x25: {  	[simem:s6], [sflag:s4] =	dma.local [hbm:s3], $0xF7A  }
0x26: {  	[smem:$0x3F92] =	sst s1;
	(tag) =	ssettag s2;
	_ =	strace s9  }
0x27: {  	s1 =	sld [smem:$0x3FA2]  }
0x28: {  	s2 =	sld [smem:$0x3FA3]  }
0x29: {  	s4 =	sld [smem:$0x3FA5]  }
0x2a: {  	p0 =	seq.s32 s5, $0x0;
	s5 =	sld [smem:$0x3FA6]  }
0x2b: {  	s6 =	sld [smem:$0x3FA7]  }
0x2c: {  	s7 =	sld [smem:$0x3FA8]  }
0x2d: {  	s3 =	simm.s32 $0x108;
	s8 =	sld [smem:$0x3FA9]  }
0x2e: {  	s3 =	simm.s32 @!p0 $0x1082;
	s9 =	sld [smem:$0x3FAA]  }
0x2f: {  	lr =	sadd.s32 s0, s3;
	s0 =	sld [smem:$0x3FA1]  }
0x30: {  	s3 =	sld [smem:$0x3FA4]  }
0x31: {  	[smem:$0x3FAD] =	sst s10  }
0x32: {  	s10 =	sld [smem:$0x3FAB];
	_ =	sdelay $0x3  }
0x33: {  	p0 =	seq.s32 s10, $0x1;
	s10 =	sld [smem:$0x3FAD];
	_ =	sdelay $0x3  }
0x34: {  	[smem:$0x3FAD] =	sst s10  }
0x35: {  	s10 =	sld [smem:$0x3FAC];
	_ =	sdelay $0x3  }
0x36: {  	p1 =	seq.s32 s10, $0x1;
	s10 =	sld [smem:$0x3FAD];
	_ =	sdelay $0x3  }
0x37: {  	[smem:$0x3FAD] =	sst s10  }
0x38: {  	s10 =	sld [smem:$0x3FAE]  }
0x39: {  	_ = 	snop;
	(pc) =	sbr.ind lr, $3  }
0x3a: {  	_ = 	snop  }
0x3b: {  	_ = 	snop  }
0x3c: {  	p2 =	seq.s32 s10, $0x1;
	s10 =	sld [smem:$0x3FAD]  }
0x3d: {  	_ =	shalt  }
0x3e: {  	_ =	shalt  }
0x3f: {  	_ =	shalt  }
0x40: {  	_ =	shalt  }
0x41: {  	_ =	shalt  }
0x42: {  	_ =	shalt  }
0x43: {  	_ =	shalt  }
0x44: {  	_ =	shalt  }
0x45: {  	_ =	shalt  }
0x46: {  	_ =	shalt  }
0x47: {  	_ =	shalt  }
0x48: {  	_ =	shalt  }
0x49: {  	_ =	shalt  }
0x4a: {  	_ =	shalt  }
0x4b: {  	_ =	shalt  }
0x4c: {  	_ =	shalt  }
0x4d: {  	_ =	shalt  }
0x4e: {  	_ =	shalt  }
0x4f: {  	_ =	shalt  }
0x50: {  	_ =	shalt  }
0x51: {  	_ =	shalt  }
0x52: {  	_ =	shalt  }
0x53: {  	_ =	shalt  }
0x54: {  	_ =	shalt  }
0x55: {  	_ =	shalt  }
0x56: {  	_ =	shalt  }
0x57: {  	_ =	shalt  }
0x58: {  	_ =	shalt  }
0x59: {  	_ =	shalt  }
0x5a: {  	_ =	shalt  }
0x5b: {  	_ =	shalt  }
0x5c: {  	_ =	shalt  }
0x5d: {  	_ =	shalt  }
0x5e: {  	_ =	shalt  }
0x5f: {  	_ =	shalt  }
0x60: {  	_ =	shalt  }
0x61: {  	_ =	shalt  }
0x62: {  	_ =	shalt  }
0x63: {  	_ =	shalt  }
0x64: {  	_ =	shalt  }
0x65: {  	_ =	shalt  }
0x66: {  	_ =	shalt  }
0x67: {  	_ =	shalt  }
0x68: {  	_ =	shalt  }
0x69: {  	_ =	shalt  }
0x6a: {  	_ =	shalt  }
0x6b: {  	_ =	shalt  }
0x6c: {  	_ =	shalt  }
0x6d: {  	_ =	shalt  }
0x6e: {  	_ =	shalt  }
0x6f: {  	_ =	shalt  }
0x70: {  	_ =	shalt  }
0x71: {  	_ =	shalt  }
0x72: {  	_ =	shalt  }
0x73: {  	_ =	shalt  }
0x74: {  	_ =	shalt  }
0x75: {  	_ =	shalt  }
0x76: {  	_ =	shalt  }
0x77: {  	_ =	shalt  }
0x78: {  	_ =	shalt  }
0x79: {  	_ =	shalt  }
0x7a: {  	_ =	shalt  }
0x7b: {  	_ =	shalt  }
0x7c: {  	_ =	shalt  }
0x7d: {  	_ =	shalt  }
0x7e: {  	_ =	shalt  }
0x7f: {  	_ =	shalt  }
0x80: {  	_ =	shalt  }
0x81: {  	_ =	shalt  }
0x82: {  	_ =	shalt  }
0x83: {  	_ =	shalt  }
0x84: {  	_ =	shalt  }
0x85: {  	_ =	shalt  }
0x86: {  	_ =	shalt  }
0x87: {  	_ =	shalt  }
.Lfunc_end0:
.L_simem_size_0:
called_computation.1_lowered:
.L_overlay_start_0:
0x88: {  	s2 =	sld [smem:$0x3FD9]  }
0x89: {  	s3 =	sld [smem:$0x3FFE];
	_ =	sdelay $0x1  }
0x8a: {  	s1 =	srdreg.scid  }
0x8b: {  	s0 =	sand.u32 $0x1, s1  }
0x8c: {  	s16 =	sshll.u32 s0, $0xA;
	s2 =	sadd.s32 s3, s2  }
0x8d: {  	s2 =	sadd.s32 s2, s16  }
0x8e: {  	[smem:$0x3FB9] =	sst s2  }
0x8f: {  	_ = 	snop  }
0x90: {  	(tm) =	ssettm $0x1  }
0x91: {  	s17 =	sld [smem:$0x3FFB];
	_ =	sdelay $0x3  }
0x92: {  	_ =	strace s17  }
0x93: {  	s2 =	sld [smem:$0x3FFC];
	_ =	sdelay $0x3  }
0x94: {  	_ =	strace s2  }
0x95: {  	s2 =	sld [smem:$0x3FFD];
	_ =	sdelay $0x3  }
0x96: {  	_ =	strace s2  }
0x97: {  	_ =	strace $0x8FFFFFFF  }
0x98: {  	s18 =	sld [smem:$0x3FDB];
	_ =	sdelay $0x1  }
0x99: {  	s19 =	simm.s32 $_scs_section_size  }
0x9a: {  	s4 =	simm.s32 $_size__tile_overlayer_lowered;
	s5 =	simm.s32 $_tile_overlayer_lowered  }
0x9b: {  	s22 =	simm.s32 $0x1BFF;
	s21 =	sshll.u32 s5, $0x1;
	s2 =	sadd.s32 s19, s18  }
0x9c: {  	s6 =	simm.s32 $0x0;
	s20 =	sshll.u32 s4, $0x1;
	s4 =	sadd.s32 s21, s2  }
0x9d: {  	[timem:s6], [sflag:s22] =	dma.local [hbm:s4], s20  }
0x9e: {  	_ =	swait.ge [sflag:s22], s20  }
0x9f: {  	s3 =	ssub.s32 $0x0, s20;
	[sflag:s22] =	ssyncset.done $0x0  }
0xa0: {  	[sflag:s22] =	ssyncadd.s32 s3;
	_ =	sdelay $0x1  }
0xa1: {  	s23 =	simm.s32 $0x1B8B  }
0xa2: {  	_ =	swait.ge [sflag:s23], $0x1  }
0xa3: {  	[sflag:s23] =	ssyncset.done $0x0  }
0xa4: {  	s25 =	simm.s32 $0x1B8E;
	s24 =	sld [smem:$0x3FFE];
	[sflag:s23] =	ssyncadd.s32 $0xFFFFFFFF  }
0xa5: {  	s26 =	simm.s32 $execute0_lowered;
	[smem:$0x3FD2] =	sst s25  }
0xa6: {  	s4 =	sshll.u32 s26, $0x1;
	_ =	strace $0x80000049;
	[dreg:$0x1] =	wrdreg $0xFFFFFFFF  }
0xa7: {  	s28 =	simm.s32 $_size_execute0_lowered;
	s2 =	sadd.s32 s2, s4;
	[dreg:$0x0] =	wrdreg $0x0  }
0xa8: {  	s4 =	sshll.u32 s28, $0x1;
	[dreg:$0x2] =	wrdreg s2  }
0xa9: {  	[dreg:$0x3] =	wrdreg s4  }
0xaa: {  	[dreg:$0x4] =	wrdreg $0xC0  }
0xab: {  	_ =	task [dreg:s6], $0x5FFFF  }
0xac: {  	[dreg:$0x1] =	wrdreg $0xFFFFFFFF  }
0xad: {  	[dreg:$0x0] =	wrdreg $0x60  }
0xae: {  	[dreg:$0x2] =	wrdreg s24  }
0xaf: {  	[dreg:$0x3] =	wrdreg $0x29000  }
0xb0: {  	[dreg:$0x4] =	wrdreg $0x9  }
0xb1: {  	_ =	task.clear_ibuf [dreg:s6], $0x5FFFF;
	_ =	strace $0x90000049  }
0xb2: {  	s29 =	simm.s32 $0x9;
	_ =	strace $0x8000004B  }
0xb3: {  	_ =	swait.ge [sflag:s29], $0x1  }
0xb4: {  	[sflag:s29] =	ssyncadd.s32 $0xFFFFFFFF  }
0xb5: {  	_ =	strace $0x9000004B  }
0xb6: {  	_ =	sfence  }
0xb7: {  	s30 =	sld [smem:$0x0];
	_ =	sdelay $0x2  }
0xb8: {  	s31 =	sshll.u32 s1, $0xD;
	s1 =	sshrl.u32 s1, $0x2  }
0xb9: {  	s3 =	sand.u32 $0x4000, s31;
	s1 =	sadd.s32 s1, s30  }
0xba: {  	s0 =	sor.u32 s3, s0;
	s1 =	sshll.u32 s1, $0x11  }
0xbb: {  	s0 =	sor.u32 s1, s0  }
0xbc: {  	s0 =	sadd.s32 $0x8F2B, s0  }
0xbd: {  	[sflag:s0] =	ssyncadd.remote.s32 $0x1  }
0xbe: {  	_ =	sfence.sel $0xFFFF  }
0xbf: {  	[dreg:$0x0] =	wrdreg $0xFFFFFFFF;
	(pc) =	sbr.abs _section_cstart, $3  }
0xc0: {  	[dreg:$0x1] =	wrdreg $0xFFFFFFFF  }
0xc1: {  	_ =	task.clear_ibuf [dreg:s6], $0x2FFFF;
	_ =	strace $0x9FFFFFFF  }
0xc2: {  	(tm) =	ssettm $0x7FFFFFFF  }
0xc3: {  	_ =	shalt  }
tec
execute0_lowered:
.L_overlay_start_1:
0x0: {  	(tag) =	ssettag $0x1  }
0x1: {  	s6 =	rddreg [dreg:$0x0]  }
0x2: {  	s2 =	rddreg [dreg:$0x1]  }
0x3: {  	s0 =	srdreg.scid;
	s1 =	rddreg [dreg:$0x2]  }
0x4: {  	s3 =	simm.s32 $0x0;
	s13 =	simm.s32 $0x80;
	s7 =	sand.u32 $0x1, s0  }
0x5: {  	s14 =	simm.s32 $0x50;
	s0 =	stileid.u32;
	s4 =	smul.u32 $0x27100, s7  }
0x6: {  	s15 =	simm.s32 $0x100;
	s16 =	simm.s32 $0x1;
	s5 =	smul.u32 $0x2710, s0  }
0x7: {  	s17 =	simm.s32 $0x0;
	[smem:$0x7FF] =	sst s3;
	s8 =	smul.u32 $0x140000, s7  }
0x8: {  	s9 =	smul.u32 $0x14000, s0;
	_ =	strace $0x8000004A;
	s7 =	ssub.s32 $0x2, s7  }
0x9: {  	s29 =	smul.u32 $0x50000, s0;
	s31 =	sshll.u32 s0, $0x6;
	s30 =	sshrl.u32 s7, $0x1  }
0xa: {  	s5 =	sadd.s32 s5, s4;
	s4 =	sadd.s32 $0x19600, s6;
	s8 =	sadd.s32 s9, s8  }
0xb: {  	s9 =	sshrl.u32 s29, $0x2;
	s11 =	ssub.s32 s7, s30;
	s5 =	sshrl.u32 s5, $0x3  }
0xc: {  	s8 =	sshrl.u32 s8, $0x3;
	s12 =	sadd.s32 s9, s2;
	s10 =	sadd.s32 s5, s6  }
0xd: {  	s5 =	sadd.s32 $0x69600, s6;
	s8 =	sadd.s32 s8, s6;
	s6 =	sor.u32 $0x1C02, s31  }
0xe: {  	s7 =	sadd.s32 $0x6BE00, s8;
	s8 =	smax.u32 s11, $0x1;
	s9 =	sadd.s32 $0xF800, s10  }
0xf: {  	s10 =	sadd.s32 $0x5A00, s10;
	s11 =	sshrl.u32 s12, $0x3;
	s12 =	simm.s32 $0x2  }
.LBB2_1:
0x10: {  	[spmem:s11], [sflag:s6] =	dma.local [hbm:s5], $0x2800  }
0x11: {  	_ =	swait.ge [sflag:s12], $0x2800  }
0x12: {  	[sflag:s12] =	ssyncset.done $0x0  }
0x13: {  	[sflag:s12] =	ssyncadd.s32 $0xFFFFD800  }
0x14: {  	s18 =	sadd.s32 $0x0, s10;
	[bflag:$0x0] =	sbarrier.arrive $0xFFFF  }
0x15: {  	[tilespmem:s3], [sflag:$0x2] =	stream.linear.gather [hbm4b:s18+s3], $0x50, $0x38;
	[tilespmem:$0x16900] =	vst v63  }
0x16: {  	_ =	swait.ge [sflag:s12], $0x50  }
0x17: {  	[sflag:s12] =	ssyncset.done $0x0  }
0x18: {  	s31 =	sadd.s32 $0x0, s9;
	[sflag:s12] =	ssyncadd.s32 $0xFFFFFFB0  }
0x19: {  	[tilespmem:s13], [sflag:$0x2] =	stream.linear.gather [hbm4b:s31+s3], $0x50, $0x38;
	[tilespmem:$0x16900] =	vst v63  }
0x1a: {  	_ =	swait.ge [sflag:s12], $0x50  }
0x1b: {  	[sflag:s12] =	ssyncset.done $0x0  }
0x1c: {  	[sflag:s12] =	ssyncadd.s32 $0xFFFFFFB0  }
0x1d: {  	[tilespmem:s15], [sflag:$0x1] =	stream.indirect.gather [hbm4b:s4+s14], $0x80, s3, s14, $0xb8;
	[tilespmem:$0x16900] =	vst v63  }
0x1e: {  	_ =	swait.ge [sflag:s16], $0x2800  }
0x1f: {  	[sflag:s16] =	ssyncset.done $0x0  }
0x20: {  	[sflag:s16] =	ssyncadd.s32 $0xFFFFD800  }
0x21: {  	[spmem:s2] =	stream.indirect.scatter.add.f32 [tilespmem:s15], [sflag:$0x2], $0x80, s13, s14, $0xb8;
	[tilespmem:$0x16900] =	vst v63  }
0x22: {  	_ =	swait.ge [sflag:s12], $0x2800  }
0x23: {  	s19 =	simm.s32 $0x14;
	s18 =	simm.s32 $0xA;
	[sflag:s12] =	ssyncset.done $0x0  }
.LBB2_2:
0x24: {  	s20 =	sadd.s32 s18, s10  }
0x25: {  	[sflag:s12] =	ssyncadd.s32 $0xFFFFD800;
	s21 =	smov.u32 s19;
	s22 =	sadd.s32 $0xA, s19  }
0x26: {  	[tilespmem:s3], [sflag:$0x2] =	stream.linear.gather [hbm4b:s20+s3], $0x50, $0x38;
	[tilespmem:$0x16900] =	vst v63  }
0x27: {  	p0 =	sne.s32 s19, $0x4D8;
	_ =	swait.ge [sflag:s12], $0x50  }
0x28: {  	[sflag:s12] =	ssyncset.done $0x0  }
0x29: {  	s19 =	sadd.s32 s18, s9;
	s18 =	smov.u32 s21;
	[sflag:s12] =	ssyncadd.s32 $0xFFFFFFB0  }
0x2a: {  	[tilespmem:s13], [sflag:$0x2] =	stream.linear.gather [hbm4b:s19+s3], $0x50, $0x38;
	[tilespmem:$0x16900] =	vst v63  }
0x2b: {  	_ =	swait.ge [sflag:s12], $0x50  }
0x2c: {  	[sflag:s12] =	ssyncset.done $0x0  }
0x2d: {  	[sflag:s12] =	ssyncadd.s32 $0xFFFFFFB0  }
0x2e: {  	[tilespmem:s15], [sflag:$0x1] =	stream.indirect.gather [hbm4b:s4+s14], $0x80, s3, s14, $0xb8;
	[tilespmem:$0x16900] =	vst v63  }
0x2f: {  	_ =	swait.ge [sflag:s16], $0x2800  }
.Ltmp0:
0x30: {  	[sflag:s16] =	ssyncset.done $0x0;
	(pc) =	sbr.rel @p0 .LBB2_2-.Ltmp0, $4  }
0x31: {  	[sflag:s16] =	ssyncadd.s32 $0xFFFFD800  }
0x32: {  	[spmem:s2] =	stream.indirect.scatter.add.f32 [tilespmem:s15], [sflag:$0x2], $0x80, s13, s14, $0xb8;
	[tilespmem:$0x16900] =	vst v63  }
0x33: {  	_ =	swait.ge [sflag:s12], $0x2800  }
0x34: {  	s19 =	smov.u32 s22;
	[sflag:s12] =	ssyncset.done $0x0  }
0x35: {  	s19 =	sadd.s32 s18, s10;
	[sflag:s12] =	ssyncadd.s32 $0xFFFFD800  }
0x36: {  	[tilespmem:s3], [sflag:$0x2] =	stream.linear.gather [hbm4b:s19+s3], $0x50, $0x38;
	[tilespmem:$0x16900] =	vst v63  }
0x37: {  	_ =	swait.ge [sflag:s12], $0x50  }
0x38: {  	[sflag:s12] =	ssyncset.done $0x0  }
0x39: {  	s31 =	sadd.s32 s18, s9;
	[sflag:s12] =	ssyncadd.s32 $0xFFFFFFB0  }
0x3a: {  	[tilespmem:s13], [sflag:$0x2] =	stream.linear.gather [hbm4b:s31+s3], $0x50, $0x38;
	[tilespmem:$0x16900] =	vst v63  }
0x3b: {  	_ =	swait.ge [sflag:s12], $0x50  }
0x3c: {  	[sflag:s12] =	ssyncset.done $0x0  }
0x3d: {  	[sflag:s12] =	ssyncadd.s32 $0xFFFFFFB0  }
0x3e: {  	[tilespmem:s15], [sflag:$0x1] =	stream.indirect.gather [hbm4b:s4+s14], $0x80, s3, s14, $0xb8;
	[tilespmem:$0x16900] =	vst v63  }
0x3f: {  	_ =	swait.ge [sflag:s16], $0x2800  }
0x40: {  	[sflag:s16] =	ssyncset.done $0x0  }
0x41: {  	[sflag:s16] =	ssyncadd.s32 $0xFFFFD800  }
0x42: {  	[spmem:s2] =	stream.indirect.scatter.add.f32 [tilespmem:s15], [sflag:$0x2], $0x80, s13, s14, $0xb8;
	[tilespmem:$0x16900] =	vst v63  }
0x43: {  	_ =	swait.ge [sflag:s12], $0x2800  }
0x44: {  	s17 =	sadd.s32 $0x1, s17;
	[sflag:s12] =	ssyncset.done $0x0  }
0x45: {  	p0 =	sne.s32 s17, s8;
	[sflag:s12] =	ssyncadd.s32 $0xFFFFD800  }
.Ltmp1:
0x46: {  	[bflag:$0x0] =	sbarrier.arrive $0xFFFF;
	(pc) =	sbr.rel @p0 .LBB2_1-.Ltmp1, $4  }
0x47: {  	[hbm:s7], [sflag:s6] =	dma.local [spmem:s11], $0x2800  }
0x48: {  	_ =	swait.ge [sflag:s12], $0x2800  }
0x49: {  	[sflag:s12] =	ssyncset.done $0x0  }
0x4a: {  	[sflag:s12] =	ssyncadd.s32 $0xFFFFD800  }
0x4b: {  	_ =	sfence.sel $0x180000  }
0x4c: {  	[bflag:$0x0] =	sbarrier.arrive $0xFFFF  }
0x4d: {  	p0 =	sne.s32 s0, $0x0;
	_ =	strace $0x9000004A  }
0x4e: {  	s0 =	sadd.s32 @!p0 $0x100000, s1;
	[bflag:$0x2] =	sbarrier.arrive $0xFFFF  }
0x4f: {  	[sflag:s0] =	ssyncadd.tile.s32 @!p0 $0x1;
	_ =	shalt  }
.Lfunc_end2:
_tile_overlayer_lowered:
.L_overlay_start_2:
0x50: {  	(tag) =	ssettag $0x2  }
0x51: {  	s0 =	rddreg [dreg:$0x0];
	s2 =	stileid.u32  }
0x52: {  	s1 =	rddreg [dreg:$0x1];
	p0 =	sne.s32 s2, $0x0  }
0x53: {  	s3 =	rddreg [dreg:$0x2];
	[bflag:$0x3] =	sbarrier.arrive $0xFFFF;
	s2 =	simm.s32 @!p0 $0x1C02  }
0x54: {  	[timem:s3], [sflag:s2] =	dma.local @!p0 [hbm:s0], s1  }
0x55: {  	s0 =	simm.s32 @!p0 $0x2  }
0x56: {  	_ =	swait.ge @!p0 [sflag:s0], s1  }
0x57: {  	s1 =	ssub.s32 @!p0 $0x0, s1;
	[sflag:s0] =	ssyncset.done @!p0 $0x0  }
0x58: {  	[sflag:s0] =	ssyncadd.s32 @!p0 s1  }
0x59: {  	[bflag:$0x3] =	sbarrier.arrive $0xFFFF  }
0x5a: {  	_ =	shalt  }

// kernel: kernel.16.cloned.1.call-start
scs
__scs_entry_jumppad:
0x0: {  	(pc) =	sbr.rel $0x88, $3  }
0x1: {  	(tag) =	ssettag $0x0;
	lr =	simm.s32 $0x1  }
0x2: {  	[smem:$0x3F92] =	sst lr;
	_ =	strace $0xD0000000  }
0x3: {  	_ = 	snop  }
0x4: {  	_ = 	snop  }
0x5: {  	_ = 	snop  }
0x6: {  	_ = 	snop  }
0x7: {  	_ = 	snop  }
__scs_overlays_trampoline_lowered:
0x8: {  	[smem:$0x3FA1] =	sst s0  }
0x9: {  	[smem:$0x3FA2] =	sst s1  }
0xa: {  	[smem:$0x3FA3] =	sst s2  }
0xb: {  	[smem:$0x3FA4] =	sst s3  }
0xc: {  	[smem:$0x3FA5] =	sst s4  }
0xd: {  	[smem:$0x3FA6] =	sst s5  }
0xe: {  	[smem:$0x3FA7] =	sst s6  }
0xf: {  	[smem:$0x3FA8] =	sst s7  }
0x10: {  	[smem:$0x3FA9] =	sst s8  }
0x11: {  	[smem:$0x3FAA] =	sst s9;
	s0 =	simm.s32 @!p0 $0x0  }
0x12: {  	s1 =	sld [smem:$0x3F90];
	s0 =	simm.s32 @p0 $0x1  }
0x13: {  	[smem:$0x3FAB] =	sst s0;
	s0 =	simm.s32 @!p1 $0x0  }
0x14: {  	s2 =	sld [smem:$0x3F8F];
	s0 =	simm.s32 @p1 $0x1  }
0x15: {  	[smem:$0x3FAC] =	sst s0;
	s0 =	simm.s32 @!p2 $0x0  }
0x16: {  	s3 =	sld [smem:$0x3FDB];
	s0 =	simm.s32 @p2 $0x1  }
0x17: {  	s4 =	simm.s32 $0x1BF5;
	[smem:$0x3FAE] =	sst s0  }
0x18: {  	s0 =	sld [smem:$0x3F91];
	_ =	swait.ge [sflag:s4], $0x0  }
0x19: {  	s7 =	sld [smem:$0x3F92]  }
0x1a: {  	s8 =	sadd.s32 $0xFFFFE003, lr  }
0x1b: {  	s9 =	sadd.s32 $0xFFFFFEF7, lr;
	s5 =	simm.s32 $0xFFFFFFFF;
	p2 =	slt.u32 s8, $0xFFFFF086  }
0x1c: {  	p1 =	slt.u32 s9, $0xF7A;
	s5 =	simm.s32 @!p2 $0x0  }
0x1d: {  	s5 =	simm.s32 @p1 $0x1;
	p0 =	seq.s32 s7, s2  }
0x1e: {  	s7 =	smul.u32 @!p0 $0xF7A, s2;
	p2 =	seq.s32 @!p0 s5, $0x0  }
0x1f: {  	s9 =	smul.u32 $0xF7A, s1;
	s8 =	simm.s32 @!p0 $0x1BF5;
	p2 =	por !p2, p0  }
0x20: {  	[sflag:s8] =	ssyncset.s32 @!p0 $0xFFFFF086;
	s6 =	sadd.s32 @!p0 s3, s7;
	s7 =	simm.s32 @!p0 $0x108  }
0x21: {  	s3 =	sadd.s32 s3, s9;
	s6 =	sadd.s32 @!p0 $0x88, s6;
	s7 =	simm.s32 @p2 $0x1082  }
0x22: {  	[simem:s7], [sflag:s8] =	dma.local @!p0 [hbm:s6], $0xF7A  }
0x23: {  	s9 =	sor.u32 $0xD0000000, s2;
	s6 =	simm.s32 $0x108;
	_ =	swait.ge @!p0 [sflag:s8], $0x0  }
0x24: {  	s3 =	sadd.s32 $0x88, s3;
	s6 =	simm.s32 @!p1 $0x1082;
	[sflag:s4] =	ssyncset.s32 $0xFFFFF086  }
0x25: {  	[simem:s6], [sflag:s4] =	dma.local [hbm:s3], $0xF7A  }
0x26: {  	[smem:$0x3F92] =	sst s1;
	(tag) =	ssettag s2;
	_ =	strace s9  }
0x27: {  	s1 =	sld [smem:$0x3FA2]  }
0x28: {  	s2 =	sld [smem:$0x3FA3]  }
0x29: {  	s4 =	sld [smem:$0x3FA5]  }
0x2a: {  	p0 =	seq.s32 s5, $0x0;
	s5 =	sld [smem:$0x3FA6]  }
0x2b: {  	s6 =	sld [smem:$0x3FA7]  }
0x2c: {  	s7 =	sld [smem:$0x3FA8]  }
0x2d: {  	s3 =	simm.s32 $0x108;
	s8 =	sld [smem:$0x3FA9]  }
0x2e: {  	s3 =	simm.s32 @!p0 $0x1082;
	s9 =	sld [smem:$0x3FAA]  }
0x2f: {  	lr =	sadd.s32 s0, s3;
	s0 =	sld [smem:$0x3FA1]  }
0x30: {  	s3 =	sld [smem:$0x3FA4]  }
0x31: {  	[smem:$0x3FAD] =	sst s10  }
0x32: {  	s10 =	sld [smem:$0x3FAB];
	_ =	sdelay $0x3  }
0x33: {  	p0 =	seq.s32 s10, $0x1;
	s10 =	sld [smem:$0x3FAD];
	_ =	sdelay $0x3  }
0x34: {  	[smem:$0x3FAD] =	sst s10  }
0x35: {  	s10 =	sld [smem:$0x3FAC];
	_ =	sdelay $0x3  }
0x36: {  	p1 =	seq.s32 s10, $0x1;
	s10 =	sld [smem:$0x3FAD];
	_ =	sdelay $0x3  }
0x37: {  	[smem:$0x3FAD] =	sst s10  }
0x38: {  	s10 =	sld [smem:$0x3FAE]  }
0x39: {  	_ = 	snop;
	(pc) =	sbr.ind lr, $3  }
0x3a: {  	_ = 	snop  }
0x3b: {  	_ = 	snop  }
0x3c: {  	p2 =	seq.s32 s10, $0x1;
	s10 =	sld [smem:$0x3FAD]  }
0x3d: {  	_ =	shalt  }
0x3e: {  	_ =	shalt  }
0x3f: {  	_ =	shalt  }
0x40: {  	_ =	shalt  }
0x41: {  	_ =	shalt  }
0x42: {  	_ =	shalt  }
0x43: {  	_ =	shalt  }
0x44: {  	_ =	shalt  }
0x45: {  	_ =	shalt  }
0x46: {  	_ =	shalt  }
0x47: {  	_ =	shalt  }
0x48: {  	_ =	shalt  }
0x49: {  	_ =	shalt  }
0x4a: {  	_ =	shalt  }
0x4b: {  	_ =	shalt  }
0x4c: {  	_ =	shalt  }
0x4d: {  	_ =	shalt  }
0x4e: {  	_ =	shalt  }
0x4f: {  	_ =	shalt  }
0x50: {  	_ =	shalt  }
0x51: {  	_ =	shalt  }
0x52: {  	_ =	shalt  }
0x53: {  	_ =	shalt  }
0x54: {  	_ =	shalt  }
0x55: {  	_ =	shalt  }
0x56: {  	_ =	shalt  }
0x57: {  	_ =	shalt  }
0x58: {  	_ =	shalt  }
0x59: {  	_ =	shalt  }
0x5a: {  	_ =	shalt  }
0x5b: {  	_ =	shalt  }
0x5c: {  	_ =	shalt  }
0x5d: {  	_ =	shalt  }
0x5e: {  	_ =	shalt  }
0x5f: {  	_ =	shalt  }
0x60: {  	_ =	shalt  }
0x61: {  	_ =	shalt  }
0x62: {  	_ =	shalt  }
0x63: {  	_ =	shalt  }
0x64: {  	_ =	shalt  }
0x65: {  	_ =	shalt  }
0x66: {  	_ =	shalt  }
0x67: {  	_ =	shalt  }
0x68: {  	_ =	shalt  }
0x69: {  	_ =	shalt  }
0x6a: {  	_ =	shalt  }
0x6b: {  	_ =	shalt  }
0x6c: {  	_ =	shalt  }
0x6d: {  	_ =	shalt  }
0x6e: {  	_ =	shalt  }
0x6f: {  	_ =	shalt  }
0x70: {  	_ =	shalt  }
0x71: {  	_ =	shalt  }
0x72: {  	_ =	shalt  }
0x73: {  	_ =	shalt  }
0x74: {  	_ =	shalt  }
0x75: {  	_ =	shalt  }
0x76: {  	_ =	shalt  }
0x77: {  	_ =	shalt  }
0x78: {  	_ =	shalt  }
0x79: {  	_ =	shalt  }
0x7a: {  	_ =	shalt  }
0x7b: {  	_ =	shalt  }
0x7c: {  	_ =	shalt  }
0x7d: {  	_ =	shalt  }
0x7e: {  	_ =	shalt  }
0x7f: {  	_ =	shalt  }
0x80: {  	_ =	shalt  }
0x81: {  	_ =	shalt  }
0x82: {  	_ =	shalt  }
0x83: {  	_ =	shalt  }
0x84: {  	_ =	shalt  }
0x85: {  	_ =	shalt  }
0x86: {  	_ =	shalt  }
0x87: {  	_ =	shalt  }
.Lfunc_end0:
.L_simem_size_0:
called_computation.2_lowered:
.L_overlay_start_0:
0x88: {  	s2 =	sld [smem:$0x3FD9]  }
0x89: {  	s3 =	sld [smem:$0x3FFE];
	_ =	sdelay $0x1  }
0x8a: {  	s1 =	srdreg.scid  }
0x8b: {  	s0 =	sand.u32 $0x1, s1  }
0x8c: {  	s16 =	sshll.u32 s0, $0xA;
	s2 =	sadd.s32 s3, s2  }
0x8d: {  	s2 =	sadd.s32 s2, s16  }
0x8e: {  	[smem:$0x3FB9] =	sst s2  }
0x8f: {  	_ = 	snop  }
0x90: {  	(tm) =	ssettm $0x1  }
0x91: {  	s17 =	sld [smem:$0x3FFB];
	_ =	sdelay $0x3  }
0x92: {  	_ =	strace s17  }
0x93: {  	s2 =	sld [smem:$0x3FFC];
	_ =	sdelay $0x3  }
0x94: {  	_ =	strace s2  }
0x95: {  	s2 =	sld [smem:$0x3FFD];
	_ =	sdelay $0x3  }
0x96: {  	_ =	strace s2  }
0x97: {  	_ =	strace $0x8FFFFFFF  }
0x98: {  	s18 =	sld [smem:$0x3FDB];
	_ =	sdelay $0x1  }
0x99: {  	s19 =	simm.s32 $_scs_section_size  }
0x9a: {  	s4 =	simm.s32 $_size__tile_overlayer_lowered;
	s5 =	simm.s32 $_tile_overlayer_lowered  }
0x9b: {  	s22 =	simm.s32 $0x1BFF;
	s21 =	sshll.u32 s5, $0x1;
	s2 =	sadd.s32 s19, s18  }
0x9c: {  	s6 =	simm.s32 $0x0;
	s20 =	sshll.u32 s4, $0x1;
	s4 =	sadd.s32 s21, s2  }
0x9d: {  	[timem:s6], [sflag:s22] =	dma.local [hbm:s4], s20  }
0x9e: {  	_ =	swait.ge [sflag:s22], s20  }
0x9f: {  	s3 =	ssub.s32 $0x0, s20;
	[sflag:s22] =	ssyncset.done $0x0  }
0xa0: {  	[sflag:s22] =	ssyncadd.s32 s3;
	_ =	sdelay $0x1  }
0xa1: {  	s23 =	simm.s32 $0x1B8B  }
0xa2: {  	_ =	swait.ge [sflag:s23], $0x1  }
0xa3: {  	[sflag:s23] =	ssyncset.done $0x0  }
0xa4: {  	s25 =	simm.s32 $0x1B8E;
	s24 =	sld [smem:$0x3FFE];
	[sflag:s23] =	ssyncadd.s32 $0xFFFFFFFF  }
0xa5: {  	s26 =	simm.s32 $execute0_lowered;
	[smem:$0x3FD2] =	sst s25  }
0xa6: {  	s4 =	sshll.u32 s26, $0x1;
	_ =	strace $0x8000004C;
	[dreg:$0x1] =	wrdreg $0xFFFFFFFF  }
0xa7: {  	s28 =	simm.s32 $_size_execute0_lowered;
	s2 =	sadd.s32 s2, s4;
	[dreg:$0x0] =	wrdreg $0x0  }
0xa8: {  	s4 =	sshll.u32 s28, $0x1;
	[dreg:$0x2] =	wrdreg s2  }
0xa9: {  	[dreg:$0x3] =	wrdreg s4  }
0xaa: {  	[dreg:$0x4] =	wrdreg $0xC0  }
0xab: {  	_ =	task [dreg:s6], $0x5FFFF  }
0xac: {  	[dreg:$0x1] =	wrdreg $0xFFFFFFFF  }
0xad: {  	[dreg:$0x0] =	wrdreg $0x60  }
0xae: {  	[dreg:$0x2] =	wrdreg s24  }
0xaf: {  	[dreg:$0x3] =	wrdreg $0x29000  }
0xb0: {  	[dreg:$0x4] =	wrdreg $0x9  }
0xb1: {  	_ =	task.clear_ibuf [dreg:s6], $0x5FFFF;
	_ =	strace $0x9000004C  }
0xb2: {  	s29 =	simm.s32 $0x9;
	_ =	strace $0x8000004E  }
0xb3: {  	_ =	swait.ge [sflag:s29], $0x1  }
0xb4: {  	[sflag:s29] =	ssyncadd.s32 $0xFFFFFFFF  }
0xb5: {  	_ =	strace $0x9000004E  }
0xb6: {  	_ =	sfence  }
0xb7: {  	s30 =	sld [smem:$0x0];
	_ =	sdelay $0x2  }
0xb8: {  	s31 =	sshll.u32 s1, $0xD;
	s1 =	sshrl.u32 s1, $0x2  }
0xb9: {  	s3 =	sand.u32 $0x4000, s31;
	s1 =	sadd.s32 s1, s30  }
0xba: {  	s0 =	sor.u32 s3, s0;
	s1 =	sshll.u32 s1, $0x11  }
0xbb: {  	s0 =	sor.u32 s1, s0  }
0xbc: {  	s0 =	sadd.s32 $0x8F2B, s0  }
0xbd: {  	[sflag:s0] =	ssyncadd.remote.s32 $0x1  }
0xbe: {  	_ =	sfence.sel $0xFFFF  }
0xbf: {  	[dreg:$0x0] =	wrdreg $0xFFFFFFFF;
	(pc) =	sbr.abs _section_cstart, $3  }
0xc0: {  	[dreg:$0x1] =	wrdreg $0xFFFFFFFF  }
0xc1: {  	_ =	task.clear_ibuf [dreg:s6], $0x2FFFF;
	_ =	strace $0x9FFFFFFF  }
0xc2: {  	(tm) =	ssettm $0x7FFFFFFF  }
0xc3: {  	_ =	shalt  }
tec
execute0_lowered:
.L_overlay_start_1:
0x0: {  	(tag) =	ssettag $0x1  }
0x1: {  	s6 =	rddreg [dreg:$0x0]  }
0x2: {  	s2 =	rddreg [dreg:$0x1]  }
0x3: {  	s0 =	srdreg.scid;
	s1 =	rddreg [dreg:$0x2]  }
0x4: {  	s3 =	simm.s32 $0x0;
	s13 =	simm.s32 $0x80;
	s7 =	sand.u32 $0x1, s0  }
0x5: {  	s14 =	simm.s32 $0x50;
	s0 =	stileid.u32;
	s4 =	smul.u32 $0x27100, s7  }
0x6: {  	s15 =	simm.s32 $0x100;
	s16 =	simm.s32 $0x1;
	s5 =	smul.u32 $0x2710, s0  }
0x7: {  	s17 =	simm.s32 $0x0;
	[smem:$0x7FF] =	sst s3;
	s8 =	smul.u32 $0x140000, s7  }
0x8: {  	s9 =	smul.u32 $0x14000, s0;
	_ =	strace $0x8000004D;
	s7 =	ssub.s32 $0x2, s7  }
0x9: {  	s29 =	smul.u32 $0x50000, s0;
	s31 =	sshll.u32 s0, $0x6;
	s30 =	sshrl.u32 s7, $0x1  }
0xa: {  	s5 =	sadd.s32 s5, s4;
	s4 =	sadd.s32 $0x19600, s6;
	s8 =	sadd.s32 s9, s8  }
0xb: {  	s9 =	sshrl.u32 s29, $0x2;
	s11 =	ssub.s32 s7, s30;
	s5 =	sshrl.u32 s5, $0x3  }
0xc: {  	s8 =	sshrl.u32 s8, $0x3;
	s12 =	sadd.s32 s9, s2;
	s10 =	sadd.s32 s5, s6  }
0xd: {  	s5 =	sadd.s32 $0x69600, s6;
	s8 =	sadd.s32 s8, s6;
	s6 =	sor.u32 $0x1C02, s31  }
0xe: {  	s7 =	sadd.s32 $0x6BE00, s8;
	s8 =	smax.u32 s11, $0x1;
	s9 =	sadd.s32 $0xF800, s10  }
0xf: {  	s10 =	sadd.s32 $0x5A00, s10;
	s11 =	sshrl.u32 s12, $0x3;
	s12 =	simm.s32 $0x2  }
.LBB2_1:
0x10: {  	[spmem:s11], [sflag:s6] =	dma.local [hbm:s5], $0x2800  }
0x11: {  	_ =	swait.ge [sflag:s12], $0x2800  }
0x12: {  	[sflag:s12] =	ssyncset.done $0x0  }
0x13: {  	[sflag:s12] =	ssyncadd.s32 $0xFFFFD800  }
0x14: {  	s18 =	sadd.s32 $0x0, s10;
	[bflag:$0x0] =	sbarrier.arrive $0xFFFF  }
0x15: {  	[tilespmem:s3], [sflag:$0x2] =	stream.linear.gather [hbm4b:s18+s3], $0x50, $0x38;
	[tilespmem:$0x16900] =	vst v63  }
0x16: {  	_ =	swait.ge [sflag:s12], $0x50  }
0x17: {  	[sflag:s12] =	ssyncset.done $0x0  }
0x18: {  	s31 =	sadd.s32 $0x0, s9;
	[sflag:s12] =	ssyncadd.s32 $0xFFFFFFB0  }
0x19: {  	[tilespmem:s13], [sflag:$0x2] =	stream.linear.gather [hbm4b:s31+s3], $0x50, $0x38;
	[tilespmem:$0x16900] =	vst v63  }
0x1a: {  	_ =	swait.ge [sflag:s12], $0x50  }
0x1b: {  	[sflag:s12] =	ssyncset.done $0x0  }
0x1c: {  	[sflag:s12] =	ssyncadd.s32 $0xFFFFFFB0  }
0x1d: {  	[tilespmem:s15], [sflag:$0x1] =	stream.indirect.gather [hbm4b:s4+s14], $0x80, s3, s14, $0xb8;
	[tilespmem:$0x16900] =	vst v63  }
0x1e: {  	_ =	swait.ge [sflag:s16], $0x2800  }
0x1f: {  	[sflag:s16] =	ssyncset.done $0x0  }
0x20: {  	[sflag:s16] =	ssyncadd.s32 $0xFFFFD800  }
0x21: {  	[spmem:s2] =	stream.indirect.scatter.add.f32 [tilespmem:s15], [sflag:$0x2], $0x80, s13, s14, $0xb8;
	[tilespmem:$0x16900] =	vst v63  }
0x22: {  	_ =	swait.ge [sflag:s12], $0x2800  }
0x23: {  	s19 =	simm.s32 $0x14;
	s18 =	simm.s32 $0xA;
	[sflag:s12] =	ssyncset.done $0x0  }
.LBB2_2:
0x24: {  	s20 =	sadd.s32 s18, s10  }
0x25: {  	[sflag:s12] =	ssyncadd.s32 $0xFFFFD800;
	s21 =	smov.u32 s19;
	s22 =	sadd.s32 $0xA, s19  }
0x26: {  	[tilespmem:s3], [sflag:$0x2] =	stream.linear.gather [hbm4b:s20+s3], $0x50, $0x38;
	[tilespmem:$0x16900] =	vst v63  }
0x27: {  	p0 =	sne.s32 s19, $0x4D8;
	_ =	swait.ge [sflag:s12], $0x50  }
0x28: {  	[sflag:s12] =	ssyncset.done $0x0  }
0x29: {  	s19 =	sadd.s32 s18, s9;
	s18 =	smov.u32 s21;
	[sflag:s12] =	ssyncadd.s32 $0xFFFFFFB0  }
0x2a: {  	[tilespmem:s13], [sflag:$0x2] =	stream.linear.gather [hbm4b:s19+s3], $0x50, $0x38;
	[tilespmem:$0x16900] =	vst v63  }
0x2b: {  	_ =	swait.ge [sflag:s12], $0x50  }
0x2c: {  	[sflag:s12] =	ssyncset.done $0x0  }
0x2d: {  	[sflag:s12] =	ssyncadd.s32 $0xFFFFFFB0  }
0x2e: {  	[tilespmem:s15], [sflag:$0x1] =	stream.indirect.gather [hbm4b:s4+s14], $0x80, s3, s14, $0xb8;
	[tilespmem:$0x16900] =	vst v63  }
0x2f: {  	_ =	swait.ge [sflag:s16], $0x2800  }
.Ltmp0:
0x30: {  	[sflag:s16] =	ssyncset.done $0x0;
	(pc) =	sbr.rel @p0 .LBB2_2-.Ltmp0, $4  }
0x31: {  	[sflag:s16] =	ssyncadd.s32 $0xFFFFD800  }
0x32: {  	[spmem:s2] =	stream.indirect.scatter.add.f32 [tilespmem:s15], [sflag:$0x2], $0x80, s13, s14, $0xb8;
	[tilespmem:$0x16900] =	vst v63  }
0x33: {  	_ =	swait.ge [sflag:s12], $0x2800  }
0x34: {  	s19 =	smov.u32 s22;
	[sflag:s12] =	ssyncset.done $0x0  }
0x35: {  	s19 =	sadd.s32 s18, s10;
	[sflag:s12] =	ssyncadd.s32 $0xFFFFD800  }
0x36: {  	[tilespmem:s3], [sflag:$0x2] =	stream.linear.gather [hbm4b:s19+s3], $0x50, $0x38;
	[tilespmem:$0x16900] =	vst v63  }
0x37: {  	_ =	swait.ge [sflag:s12], $0x50  }
0x38: {  	[sflag:s12] =	ssyncset.done $0x0  }
0x39: {  	s31 =	sadd.s32 s18, s9;
	[sflag:s12] =	ssyncadd.s32 $0xFFFFFFB0  }
0x3a: {  	[tilespmem:s13], [sflag:$0x2] =	stream.linear.gather [hbm4b:s31+s3], $0x50, $0x38;
	[tilespmem:$0x16900] =	vst v63  }
0x3b: {  	_ =	swait.ge [sflag:s12], $0x50  }
0x3c: {  	[sflag:s12] =	ssyncset.done $0x0  }
0x3d: {  	[sflag:s12] =	ssyncadd.s32 $0xFFFFFFB0  }
0x3e: {  	[tilespmem:s15], [sflag:$0x1] =	stream.indirect.gather [hbm4b:s4+s14], $0x80, s3, s14, $0xb8;
	[tilespmem:$0x16900] =	vst v63  }
0x3f: {  	_ =	swait.ge [sflag:s16], $0x2800  }
0x40: {  	[sflag:s16] =	ssyncset.done $0x0  }
0x41: {  	[sflag:s16] =	ssyncadd.s32 $0xFFFFD800  }
0x42: {  	[spmem:s2] =	stream.indirect.scatter.add.f32 [tilespmem:s15], [sflag:$0x2], $0x80, s13, s14, $0xb8;
	[tilespmem:$0x16900] =	vst v63  }
0x43: {  	_ =	swait.ge [sflag:s12], $0x2800  }
0x44: {  	s17 =	sadd.s32 $0x1, s17;
	[sflag:s12] =	ssyncset.done $0x0  }
0x45: {  	p0 =	sne.s32 s17, s8;
	[sflag:s12] =	ssyncadd.s32 $0xFFFFD800  }
.Ltmp1:
0x46: {  	[bflag:$0x0] =	sbarrier.arrive $0xFFFF;
	(pc) =	sbr.rel @p0 .LBB2_1-.Ltmp1, $4  }
0x47: {  	[hbm:s7], [sflag:s6] =	dma.local [spmem:s11], $0x2800  }
0x48: {  	_ =	swait.ge [sflag:s12], $0x2800  }
0x49: {  	[sflag:s12] =	ssyncset.done $0x0  }
0x4a: {  	[sflag:s12] =	ssyncadd.s32 $0xFFFFD800  }
0x4b: {  	_ =	sfence.sel $0x180000  }
0x4c: {  	[bflag:$0x0] =	sbarrier.arrive $0xFFFF  }
0x4d: {  	p0 =	sne.s32 s0, $0x0;
	_ =	strace $0x9000004D  }
0x4e: {  	s0 =	sadd.s32 @!p0 $0x100000, s1;
	[bflag:$0x2] =	sbarrier.arrive $0xFFFF  }
0x4f: {  	[sflag:s0] =	ssyncadd.tile.s32 @!p0 $0x1;
	_ =	shalt  }
.Lfunc_end2:
_tile_overlayer_lowered:
.L_overlay_start_2:
0x50: {  	(tag) =	ssettag $0x2  }
0x51: {  	s0 =	rddreg [dreg:$0x0];
	s2 =	stileid.u32  }
0x52: {  	s1 =	rddreg [dreg:$0x1];
	p0 =	sne.s32 s2, $0x0  }
0x53: {  	s3 =	rddreg [dreg:$0x2];
	[bflag:$0x3] =	sbarrier.arrive $0xFFFF;
	s2 =	simm.s32 @!p0 $0x1C02  }
0x54: {  	[timem:s3], [sflag:s2] =	dma.local @!p0 [hbm:s0], s1  }
0x55: {  	s0 =	simm.s32 @!p0 $0x2  }
0x56: {  	_ =	swait.ge @!p0 [sflag:s0], s1  }
0x57: {  	s1 =	ssub.s32 @!p0 $0x0, s1;
	[sflag:s0] =	ssyncset.done @!p0 $0x0  }
0x58: {  	[sflag:s0] =	ssyncadd.s32 @!p0 s1  }
0x59: {  	[bflag:$0x3] =	sbarrier.arrive $0xFFFF  }
0x5a: {  	_ =	shalt  }

// kernel: kernel.19.cloned.1.call-start
scs
__scs_entry_jumppad:
0x0: {  	(pc) =	sbr.rel $0x88, $3  }
0x1: {  	(tag) =	ssettag $0x0;
	lr =	simm.s32 $0x1  }
0x2: {  	[smem:$0x3F92] =	sst lr;
	_ =	strace $0xD0000000  }
0x3: {  	_ = 	snop  }
0x4: {  	_ = 	snop  }
0x5: {  	_ = 	snop  }
0x6: {  	_ = 	snop  }
0x7: {  	_ = 	snop  }
__scs_overlays_trampoline_lowered:
0x8: {  	[smem:$0x3FA1] =	sst s0  }
0x9: {  	[smem:$0x3FA2] =	sst s1  }
0xa: {  	[smem:$0x3FA3] =	sst s2  }
0xb: {  	[smem:$0x3FA4] =	sst s3  }
0xc: {  	[smem:$0x3FA5] =	sst s4  }
0xd: {  	[smem:$0x3FA6] =	sst s5  }
0xe: {  	[smem:$0x3FA7] =	sst s6  }
0xf: {  	[smem:$0x3FA8] =	sst s7  }
0x10: {  	[smem:$0x3FA9] =	sst s8  }
0x11: {  	[smem:$0x3FAA] =	sst s9;
	s0 =	simm.s32 @!p0 $0x0  }
0x12: {  	s1 =	sld [smem:$0x3F90];
	s0 =	simm.s32 @p0 $0x1  }
0x13: {  	[smem:$0x3FAB] =	sst s0;
	s0 =	simm.s32 @!p1 $0x0  }
0x14: {  	s2 =	sld [smem:$0x3F8F];
	s0 =	simm.s32 @p1 $0x1  }
0x15: {  	[smem:$0x3FAC] =	sst s0;
	s0 =	simm.s32 @!p2 $0x0  }
0x16: {  	s3 =	sld [smem:$0x3FDB];
	s0 =	simm.s32 @p2 $0x1  }
0x17: {  	s4 =	simm.s32 $0x1BF5;
	[smem:$0x3FAE] =	sst s0  }
0x18: {  	s0 =	sld [smem:$0x3F91];
	_ =	swait.ge [sflag:s4], $0x0  }
0x19: {  	s7 =	sld [smem:$0x3F92]  }
0x1a: {  	s8 =	sadd.s32 $0xFFFFE003, lr  }
0x1b: {  	s9 =	sadd.s32 $0xFFFFFEF7, lr;
	s5 =	simm.s32 $0xFFFFFFFF;
	p2 =	slt.u32 s8, $0xFFFFF086  }
0x1c: {  	p1 =	slt.u32 s9, $0xF7A;
	s5 =	simm.s32 @!p2 $0x0  }
0x1d: {  	s5 =	simm.s32 @p1 $0x1;
	p0 =	seq.s32 s7, s2  }
0x1e: {  	s7 =	smul.u32 @!p0 $0xF7A, s2;
	p2 =	seq.s32 @!p0 s5, $0x0  }
0x1f: {  	s9 =	smul.u32 $0xF7A, s1;
	s8 =	simm.s32 @!p0 $0x1BF5;
	p2 =	por !p2, p0  }
0x20: {  	[sflag:s8] =	ssyncset.s32 @!p0 $0xFFFFF086;
	s6 =	sadd.s32 @!p0 s3, s7;
	s7 =	simm.s32 @!p0 $0x108  }
0x21: {  	s3 =	sadd.s32 s3, s9;
	s6 =	sadd.s32 @!p0 $0x88, s6;
	s7 =	simm.s32 @p2 $0x1082  }
0x22: {  	[simem:s7], [sflag:s8] =	dma.local @!p0 [hbm:s6], $0xF7A  }
0x23: {  	s9 =	sor.u32 $0xD0000000, s2;
	s6 =	simm.s32 $0x108;
	_ =	swait.ge @!p0 [sflag:s8], $0x0  }
0x24: {  	s3 =	sadd.s32 $0x88, s3;
	s6 =	simm.s32 @!p1 $0x1082;
	[sflag:s4] =	ssyncset.s32 $0xFFFFF086  }
0x25: {  	[simem:s6], [sflag:s4] =	dma.local [hbm:s3], $0xF7A  }
0x26: {  	[smem:$0x3F92] =	sst s1;
	(tag) =	ssettag s2;
	_ =	strace s9  }
0x27: {  	s1 =	sld [smem:$0x3FA2]  }
0x28: {  	s2 =	sld [smem:$0x3FA3]  }
0x29: {  	s4 =	sld [smem:$0x3FA5]  }
0x2a: {  	p0 =	seq.s32 s5, $0x0;
	s5 =	sld [smem:$0x3FA6]  }
0x2b: {  	s6 =	sld [smem:$0x3FA7]  }
0x2c: {  	s7 =	sld [smem:$0x3FA8]  }
0x2d: {  	s3 =	simm.s32 $0x108;
	s8 =	sld [smem:$0x3FA9]  }
0x2e: {  	s3 =	simm.s32 @!p0 $0x1082;
	s9 =	sld [smem:$0x3FAA]  }
0x2f: {  	lr =	sadd.s32 s0, s3;
	s0 =	sld [smem:$0x3FA1]  }
0x30: {  	s3 =	sld [smem:$0x3FA4]  }
0x31: {  	[smem:$0x3FAD] =	sst s10  }
0x32: {  	s10 =	sld [smem:$0x3FAB];
	_ =	sdelay $0x3  }
0x33: {  	p0 =	seq.s32 s10, $0x1;
	s10 =	sld [smem:$0x3FAD];
	_ =	sdelay $0x3  }
0x34: {  	[smem:$0x3FAD] =	sst s10  }
0x35: {  	s10 =	sld [smem:$0x3FAC];
	_ =	sdelay $0x3  }
0x36: {  	p1 =	seq.s32 s10, $0x1;
	s10 =	sld [smem:$0x3FAD];
	_ =	sdelay $0x3  }
0x37: {  	[smem:$0x3FAD] =	sst s10  }
0x38: {  	s10 =	sld [smem:$0x3FAE]  }
0x39: {  	_ = 	snop;
	(pc) =	sbr.ind lr, $3  }
0x3a: {  	_ = 	snop  }
0x3b: {  	_ = 	snop  }
0x3c: {  	p2 =	seq.s32 s10, $0x1;
	s10 =	sld [smem:$0x3FAD]  }
0x3d: {  	_ =	shalt  }
0x3e: {  	_ =	shalt  }
0x3f: {  	_ =	shalt  }
0x40: {  	_ =	shalt  }
0x41: {  	_ =	shalt  }
0x42: {  	_ =	shalt  }
0x43: {  	_ =	shalt  }
0x44: {  	_ =	shalt  }
0x45: {  	_ =	shalt  }
0x46: {  	_ =	shalt  }
0x47: {  	_ =	shalt  }
0x48: {  	_ =	shalt  }
0x49: {  	_ =	shalt  }
0x4a: {  	_ =	shalt  }
0x4b: {  	_ =	shalt  }
0x4c: {  	_ =	shalt  }
0x4d: {  	_ =	shalt  }
0x4e: {  	_ =	shalt  }
0x4f: {  	_ =	shalt  }
0x50: {  	_ =	shalt  }
0x51: {  	_ =	shalt  }
0x52: {  	_ =	shalt  }
0x53: {  	_ =	shalt  }
0x54: {  	_ =	shalt  }
0x55: {  	_ =	shalt  }
0x56: {  	_ =	shalt  }
0x57: {  	_ =	shalt  }
0x58: {  	_ =	shalt  }
0x59: {  	_ =	shalt  }
0x5a: {  	_ =	shalt  }
0x5b: {  	_ =	shalt  }
0x5c: {  	_ =	shalt  }
0x5d: {  	_ =	shalt  }
0x5e: {  	_ =	shalt  }
0x5f: {  	_ =	shalt  }
0x60: {  	_ =	shalt  }
0x61: {  	_ =	shalt  }
0x62: {  	_ =	shalt  }
0x63: {  	_ =	shalt  }
0x64: {  	_ =	shalt  }
0x65: {  	_ =	shalt  }
0x66: {  	_ =	shalt  }
0x67: {  	_ =	shalt  }
0x68: {  	_ =	shalt  }
0x69: {  	_ =	shalt  }
0x6a: {  	_ =	shalt  }
0x6b: {  	_ =	shalt  }
0x6c: {  	_ =	shalt  }
0x6d: {  	_ =	shalt  }
0x6e: {  	_ =	shalt  }
0x6f: {  	_ =	shalt  }
0x70: {  	_ =	shalt  }
0x71: {  	_ =	shalt  }
0x72: {  	_ =	shalt  }
0x73: {  	_ =	shalt  }
0x74: {  	_ =	shalt  }
0x75: {  	_ =	shalt  }
0x76: {  	_ =	shalt  }
0x77: {  	_ =	shalt  }
0x78: {  	_ =	shalt  }
0x79: {  	_ =	shalt  }
0x7a: {  	_ =	shalt  }
0x7b: {  	_ =	shalt  }
0x7c: {  	_ =	shalt  }
0x7d: {  	_ =	shalt  }
0x7e: {  	_ =	shalt  }
0x7f: {  	_ =	shalt  }
0x80: {  	_ =	shalt  }
0x81: {  	_ =	shalt  }
0x82: {  	_ =	shalt  }
0x83: {  	_ =	shalt  }
0x84: {  	_ =	shalt  }
0x85: {  	_ =	shalt  }
0x86: {  	_ =	shalt  }
0x87: {  	_ =	shalt  }
.Lfunc_end0:
.L_simem_size_0:
called_computation.3_lowered:
.L_overlay_start_0:
0x88: {  	s2 =	sld [smem:$0x3FD9]  }
0x89: {  	s3 =	sld [smem:$0x3FFE];
	_ =	sdelay $0x1  }
0x8a: {  	s1 =	srdreg.scid  }
0x8b: {  	s0 =	sand.u32 $0x1, s1  }
0x8c: {  	s16 =	sshll.u32 s0, $0xA;
	s2 =	sadd.s32 s3, s2  }
0x8d: {  	s2 =	sadd.s32 s2, s16  }
0x8e: {  	[smem:$0x3FB9] =	sst s2  }
0x8f: {  	_ = 	snop  }
0x90: {  	(tm) =	ssettm $0x1  }
0x91: {  	s17 =	sld [smem:$0x3FFB];
	_ =	sdelay $0x3  }
0x92: {  	_ =	strace s17  }
0x93: {  	s2 =	sld [smem:$0x3FFC];
	_ =	sdelay $0x3  }
0x94: {  	_ =	strace s2  }
0x95: {  	s2 =	sld [smem:$0x3FFD];
	_ =	sdelay $0x3  }
0x96: {  	_ =	strace s2  }
0x97: {  	_ =	strace $0x8FFFFFFF  }
0x98: {  	s18 =	sld [smem:$0x3FDB];
	_ =	sdelay $0x1  }
0x99: {  	s19 =	simm.s32 $_scs_section_size  }
0x9a: {  	s4 =	simm.s32 $_size__tile_overlayer_lowered;
	s5 =	simm.s32 $_tile_overlayer_lowered  }
0x9b: {  	s22 =	simm.s32 $0x1BFF;
	s21 =	sshll.u32 s5, $0x1;
	s2 =	sadd.s32 s19, s18  }
0x9c: {  	s6 =	simm.s32 $0x0;
	s20 =	sshll.u32 s4, $0x1;
	s4 =	sadd.s32 s21, s2  }
0x9d: {  	[timem:s6], [sflag:s22] =	dma.local [hbm:s4], s20  }
0x9e: {  	_ =	swait.ge [sflag:s22], s20  }
0x9f: {  	s3 =	ssub.s32 $0x0, s20;
	[sflag:s22] =	ssyncset.done $0x0  }
0xa0: {  	[sflag:s22] =	ssyncadd.s32 s3;
	_ =	sdelay $0x1  }
0xa1: {  	s23 =	simm.s32 $0x1B8B  }
0xa2: {  	_ =	swait.ge [sflag:s23], $0x1  }
0xa3: {  	[sflag:s23] =	ssyncset.done $0x0  }
0xa4: {  	s25 =	simm.s32 $0x1B8E;
	s24 =	sld [smem:$0x3FFE];
	[sflag:s23] =	ssyncadd.s32 $0xFFFFFFFF  }
0xa5: {  	s26 =	simm.s32 $execute0_lowered;
	[smem:$0x3FD2] =	sst s25  }
0xa6: {  	s4 =	sshll.u32 s26, $0x1;
	_ =	strace $0x8000004F;
	[dreg:$0x1] =	wrdreg $0xFFFFFFFF  }
0xa7: {  	s28 =	simm.s32 $_size_execute0_lowered;
	s2 =	sadd.s32 s2, s4;
	[dreg:$0x0] =	wrdreg $0x0  }
0xa8: {  	s4 =	sshll.u32 s28, $0x1;
	[dreg:$0x2] =	wrdreg s2  }
0xa9: {  	[dreg:$0x3] =	wrdreg s4  }
0xaa: {  	[dreg:$0x4] =	wrdreg $0xC0  }
0xab: {  	_ =	task [dreg:s6], $0x5FFFF  }
0xac: {  	[dreg:$0x1] =	wrdreg $0xFFFFFFFF  }
0xad: {  	[dreg:$0x0] =	wrdreg $0x60  }
0xae: {  	[dreg:$0x2] =	wrdreg s24  }
0xaf: {  	[dreg:$0x3] =	wrdreg $0x29000  }
0xb0: {  	[dreg:$0x4] =	wrdreg $0x9  }
0xb1: {  	_ =	task.clear_ibuf [dreg:s6], $0x5FFFF;
	_ =	strace $0x9000004F  }
0xb2: {  	s29 =	simm.s32 $0x9;
	_ =	strace $0x80000051  }
0xb3: {  	_ =	swait.ge [sflag:s29], $0x1  }
0xb4: {  	[sflag:s29] =	ssyncadd.s32 $0xFFFFFFFF  }
0xb5: {  	_ =	strace $0x90000051  }
0xb6: {  	_ =	sfence  }
0xb7: {  	s30 =	sld [smem:$0x0];
	_ =	sdelay $0x2  }
0xb8: {  	s31 =	sshll.u32 s1, $0xD;
	s1 =	sshrl.u32 s1, $0x2  }
0xb9: {  	s3 =	sand.u32 $0x4000, s31;
	s1 =	sadd.s32 s1, s30  }
0xba: {  	s0 =	sor.u32 s3, s0;
	s1 =	sshll.u32 s1, $0x11  }
0xbb: {  	s0 =	sor.u32 s1, s0  }
0xbc: {  	s0 =	sadd.s32 $0x8F2B, s0  }
0xbd: {  	[sflag:s0] =	ssyncadd.remote.s32 $0x1  }
0xbe: {  	_ =	sfence.sel $0xFFFF  }
0xbf: {  	[dreg:$0x0] =	wrdreg $0xFFFFFFFF;
	(pc) =	sbr.abs _section_cstart, $3  }
0xc0: {  	[dreg:$0x1] =	wrdreg $0xFFFFFFFF  }
0xc1: {  	_ =	task.clear_ibuf [dreg:s6], $0x2FFFF;
	_ =	strace $0x9FFFFFFF  }
0xc2: {  	(tm) =	ssettm $0x7FFFFFFF  }
0xc3: {  	_ =	shalt  }
tec
execute0_lowered:
.L_overlay_start_1:
0x0: {  	(tag) =	ssettag $0x1  }
0x1: {  	s6 =	rddreg [dreg:$0x0]  }
0x2: {  	s2 =	rddreg [dreg:$0x1]  }
0x3: {  	s0 =	srdreg.scid;
	s1 =	rddreg [dreg:$0x2]  }
0x4: {  	s3 =	simm.s32 $0x0;
	s13 =	simm.s32 $0x80;
	s7 =	sand.u32 $0x1, s0  }
0x5: {  	s14 =	simm.s32 $0x50;
	s0 =	stileid.u32;
	s4 =	smul.u32 $0x27100, s7  }
0x6: {  	s15 =	simm.s32 $0x100;
	s16 =	simm.s32 $0x1;
	s5 =	smul.u32 $0x2710, s0  }
0x7: {  	s17 =	simm.s32 $0x0;
	[smem:$0x7FF] =	sst s3;
	s8 =	smul.u32 $0x140000, s7  }
0x8: {  	s9 =	smul.u32 $0x14000, s0;
	_ =	strace $0x80000050;
	s7 =	ssub.s32 $0x2, s7  }
0x9: {  	s29 =	smul.u32 $0x50000, s0;
	s31 =	sshll.u32 s0, $0x6;
	s30 =	sshrl.u32 s7, $0x1  }
0xa: {  	s5 =	sadd.s32 s5, s4;
	s4 =	sadd.s32 $0x19600, s6;
	s8 =	sadd.s32 s9, s8  }
0xb: {  	s9 =	sshrl.u32 s29, $0x2;
	s11 =	ssub.s32 s7, s30;
	s5 =	sshrl.u32 s5, $0x3  }
0xc: {  	s8 =	sshrl.u32 s8, $0x3;
	s12 =	sadd.s32 s9, s2;
	s10 =	sadd.s32 s5, s6  }
0xd: {  	s5 =	sadd.s32 $0x69600, s6;
	s8 =	sadd.s32 s8, s6;
	s6 =	sor.u32 $0x1C02, s31  }
0xe: {  	s7 =	sadd.s32 $0x6BE00, s8;
	s8 =	smax.u32 s11, $0x1;
	s9 =	sadd.s32 $0xF800, s10  }
0xf: {  	s10 =	sadd.s32 $0x5A00, s10;
	s11 =	sshrl.u32 s12, $0x3;
	s12 =	simm.s32 $0x2  }
.LBB2_1:
0x10: {  	[spmem:s11], [sflag:s6] =	dma.local [hbm:s5], $0x2800  }
0x11: {  	_ =	swait.ge [sflag:s12], $0x2800  }
0x12: {  	[sflag:s12] =	ssyncset.done $0x0  }
0x13: {  	[sflag:s12] =	ssyncadd.s32 $0xFFFFD800  }
0x14: {  	s18 =	sadd.s32 $0x0, s10;
	[bflag:$0x0] =	sbarrier.arrive $0xFFFF  }
0x15: {  	[tilespmem:s3], [sflag:$0x2] =	stream.linear.gather [hbm4b:s18+s3], $0x50, $0x38;
	[tilespmem:$0x16900] =	vst v63  }
0x16: {  	_ =	swait.ge [sflag:s12], $0x50  }
0x17: {  	[sflag:s12] =	ssyncset.done $0x0  }
0x18: {  	s31 =	sadd.s32 $0x0, s9;
	[sflag:s12] =	ssyncadd.s32 $0xFFFFFFB0  }
0x19: {  	[tilespmem:s13], [sflag:$0x2] =	stream.linear.gather [hbm4b:s31+s3], $0x50, $0x38;
	[tilespmem:$0x16900] =	vst v63  }
0x1a: {  	_ =	swait.ge [sflag:s12], $0x50  }
0x1b: {  	[sflag:s12] =	ssyncset.done $0x0  }
0x1c: {  	[sflag:s12] =	ssyncadd.s32 $0xFFFFFFB0  }
0x1d: {  	[tilespmem:s15], [sflag:$0x1] =	stream.indirect.gather [hbm4b:s4+s14], $0x80, s3, s14, $0xb8;
	[tilespmem:$0x16900] =	vst v63  }
0x1e: {  	_ =	swait.ge [sflag:s16], $0x2800  }
0x1f: {  	[sflag:s16] =	ssyncset.done $0x0  }
0x20: {  	[sflag:s16] =	ssyncadd.s32 $0xFFFFD800  }
0x21: {  	[spmem:s2] =	stream.indirect.scatter.add.f32 [tilespmem:s15], [sflag:$0x2], $0x80, s13, s14, $0xb8;
	[tilespmem:$0x16900] =	vst v63  }
0x22: {  	_ =	swait.ge [sflag:s12], $0x2800  }
0x23: {  	s19 =	simm.s32 $0x14;
	s18 =	simm.s32 $0xA;
	[sflag:s12] =	ssyncset.done $0x0  }
.LBB2_2:
0x24: {  	s20 =	sadd.s32 s18, s10  }
0x25: {  	[sflag:s12] =	ssyncadd.s32 $0xFFFFD800;
	s21 =	smov.u32 s19;
	s22 =	sadd.s32 $0xA, s19  }
0x26: {  	[tilespmem:s3], [sflag:$0x2] =	stream.linear.gather [hbm4b:s20+s3], $0x50, $0x38;
	[tilespmem:$0x16900] =	vst v63  }
0x27: {  	p0 =	sne.s32 s19, $0x4D8;
	_ =	swait.ge [sflag:s12], $0x50  }
0x28: {  	[sflag:s12] =	ssyncset.done $0x0  }
0x29: {  	s19 =	sadd.s32 s18, s9;
	s18 =	smov.u32 s21;
	[sflag:s12] =	ssyncadd.s32 $0xFFFFFFB0  }
0x2a: {  	[tilespmem:s13], [sflag:$0x2] =	stream.linear.gather [hbm4b:s19+s3], $0x50, $0x38;
	[tilespmem:$0x16900] =	vst v63  }
0x2b: {  	_ =	swait.ge [sflag:s12], $0x50  }
0x2c: {  	[sflag:s12] =	ssyncset.done $0x0  }
0x2d: {  	[sflag:s12] =	ssyncadd.s32 $0xFFFFFFB0  }
0x2e: {  	[tilespmem:s15], [sflag:$0x1] =	stream.indirect.gather [hbm4b:s4+s14], $0x80, s3, s14, $0xb8;
	[tilespmem:$0x16900] =	vst v63  }
0x2f: {  	_ =	swait.ge [sflag:s16], $0x2800  }
.Ltmp0:
0x30: {  	[sflag:s16] =	ssyncset.done $0x0;
	(pc) =	sbr.rel @p0 .LBB2_2-.Ltmp0, $4  }
0x31: {  	[sflag:s16] =	ssyncadd.s32 $0xFFFFD800  }
0x32: {  	[spmem:s2] =	stream.indirect.scatter.add.f32 [tilespmem:s15], [sflag:$0x2], $0x80, s13, s14, $0xb8;
	[tilespmem:$0x16900] =	vst v63  }
0x33: {  	_ =	swait.ge [sflag:s12], $0x2800  }
0x34: {  	s19 =	smov.u32 s22;
	[sflag:s12] =	ssyncset.done $0x0  }
0x35: {  	s19 =	sadd.s32 s18, s10;
	[sflag:s12] =	ssyncadd.s32 $0xFFFFD800  }
0x36: {  	[tilespmem:s3], [sflag:$0x2] =	stream.linear.gather [hbm4b:s19+s3], $0x50, $0x38;
	[tilespmem:$0x16900] =	vst v63  }
0x37: {  	_ =	swait.ge [sflag:s12], $0x50  }
0x38: {  	[sflag:s12] =	ssyncset.done $0x0  }
0x39: {  	s31 =	sadd.s32 s18, s9;
	[sflag:s12] =	ssyncadd.s32 $0xFFFFFFB0  }
0x3a: {  	[tilespmem:s13], [sflag:$0x2] =	stream.linear.gather [hbm4b:s31+s3], $0x50, $0x38;
	[tilespmem:$0x16900] =	vst v63  }
0x3b: {  	_ =	swait.ge [sflag:s12], $0x50  }
0x3c: {  	[sflag:s12] =	ssyncset.done $0x0  }
0x3d: {  	[sflag:s12] =	ssyncadd.s32 $0xFFFFFFB0  }
0x3e: {  	[tilespmem:s15], [sflag:$0x1] =	stream.indirect.gather [hbm4b:s4+s14], $0x80, s3, s14, $0xb8;
	[tilespmem:$0x16900] =	vst v63  }
0x3f: {  	_ =	swait.ge [sflag:s16], $0x2800  }
0x40: {  	[sflag:s16] =	ssyncset.done $0x0  }
0x41: {  	[sflag:s16] =	ssyncadd.s32 $0xFFFFD800  }
0x42: {  	[spmem:s2] =	stream.indirect.scatter.add.f32 [tilespmem:s15], [sflag:$0x2], $0x80, s13, s14, $0xb8;
	[tilespmem:$0x16900] =	vst v63  }
0x43: {  	_ =	swait.ge [sflag:s12], $0x2800  }
0x44: {  	s17 =	sadd.s32 $0x1, s17;
	[sflag:s12] =	ssyncset.done $0x0  }
0x45: {  	p0 =	sne.s32 s17, s8;
	[sflag:s12] =	ssyncadd.s32 $0xFFFFD800  }
.Ltmp1:
0x46: {  	[bflag:$0x0] =	sbarrier.arrive $0xFFFF;
	(pc) =	sbr.rel @p0 .LBB2_1-.Ltmp1, $4  }
0x47: {  	[hbm:s7], [sflag:s6] =	dma.local [spmem:s11], $0x2800  }
0x48: {  	_ =	swait.ge [sflag:s12], $0x2800  }
0x49: {  	[sflag:s12] =	ssyncset.done $0x0  }
0x4a: {  	[sflag:s12] =	ssyncadd.s32 $0xFFFFD800  }
0x4b: {  	_ =	sfence.sel $0x180000  }
0x4c: {  	[bflag:$0x0] =	sbarrier.arrive $0xFFFF  }
0x4d: {  	p0 =	sne.s32 s0, $0x0;
	_ =	strace $0x90000050  }
0x4e: {  	s0 =	sadd.s32 @!p0 $0x100000, s1;
	[bflag:$0x2] =	sbarrier.arrive $0xFFFF  }
0x4f: {  	[sflag:s0] =	ssyncadd.tile.s32 @!p0 $0x1;
	_ =	shalt  }
.Lfunc_end2:
_tile_overlayer_lowered:
.L_overlay_start_2:
0x50: {  	(tag) =	ssettag $0x2  }
0x51: {  	s0 =	rddreg [dreg:$0x0];
	s2 =	stileid.u32  }
0x52: {  	s1 =	rddreg [dreg:$0x1];
	p0 =	sne.s32 s2, $0x0  }
0x53: {  	s3 =	rddreg [dreg:$0x2];
	[bflag:$0x3] =	sbarrier.arrive $0xFFFF;
	s2 =	simm.s32 @!p0 $0x1C02  }
0x54: {  	[timem:s3], [sflag:s2] =	dma.local @!p0 [hbm:s0], s1  }
0x55: {  	s0 =	simm.s32 @!p0 $0x2  }
0x56: {  	_ =	swait.ge @!p0 [sflag:s0], s1  }
0x57: {  	s1 =	ssub.s32 @!p0 $0x0, s1;
	[sflag:s0] =	ssyncset.done @!p0 $0x0  }
0x58: {  	[sflag:s0] =	ssyncadd.s32 @!p0 s1  }
0x59: {  	[bflag:$0x3] =	sbarrier.arrive $0xFFFF  }
0x5a: {  	_ =	shalt  }

</sc_bundles>
